<compile_context>
chip_gen: v7x
topology: tpu7x:2x2x1
jax: 0.10.2.dev20260603
libtpu: 0.0.44.dev20260713+nightly
codegen_flags: <defaults>
</compile_context>

<pallas_src>
import functools
import math

import jax
import jax.numpy as jnp
from jax import lax
from jax.experimental import pallas as pl
from jax.experimental.pallas import tpu as pltpu
from jax.experimental.pallas import tpu_sc as plsc

SLOT = 64
BODY = 16
ACT = 16
MEM = 100000
HID = 64
SPATIAL = 16
ALPHA = 0.3
DECAY = 0.95
B_W = 4096
B_Q = 1024

def _gelu(x):
    return 0.5 * x * (1.0 - jax.lax.erf(x * (-0.7071067811865476)))



_WBLK = 512


def _mlp_body(sb, sa, ac, w1, b1, w2, b2, out):
    win = jnp.concatenate([sb[...], sa[...], ac[...]], axis=1)
    h = _gelu(jnp.dot(win, w1[...], preferred_element_type=jnp.float32) + b1[...])
    wv = jnp.dot(h, w2[...], preferred_element_type=jnp.float32) + b2[...]
    out[...] = jnp.concatenate([wv, wv], axis=1)


def _write_mlp(slot_before, slot_after, action, W1, b1, W2, b2):
    nblk = B_W // _WBLK
    return pl.pallas_call(
        _mlp_body,
        grid=(nblk,),
        in_specs=[
            pl.BlockSpec((_WBLK, SLOT), lambda i: (i, 0)),
            pl.BlockSpec((_WBLK, SLOT), lambda i: (i, 0)),
            pl.BlockSpec((_WBLK, ACT), lambda i: (i, 0)),
            pl.BlockSpec((2 * SLOT + ACT, HID), lambda i: (0, 0)),
            pl.BlockSpec((1, HID), lambda i: (0, 0)),
            pl.BlockSpec((HID, SLOT), lambda i: (0, 0)),
            pl.BlockSpec((1, SLOT), lambda i: (0, 0)),
        ],
        out_specs=pl.BlockSpec((_WBLK, 2 * SLOT), lambda i: (i, 0)),
        out_shape=jax.ShapeDtypeStruct((B_W, 2 * SLOT), jnp.float32),
    )(slot_before, slot_after, action,
      W1, b1.reshape(1, HID), W2, b2.reshape(1, SLOT))




def _jlast_body(idx_col, idx_row, jl_out, pjl_out, ca_out, cb_out, cc_out):
    ic = idx_col[...]
    eq = ic == idx_row[...]
    j = jax.lax.broadcasted_iota(jnp.int32, eq.shape, 1)
    jl = jnp.max(jnp.where(eq, j, -1), axis=1, keepdims=True)
    jl_out[...] = jl
    peq = (ic ^ 1) == idx_row[...]
    pjl = jnp.max(jnp.where(peq, j, -1), axis=1, keepdims=True)
    pm = pjl >= 0
    pjl_out[...] = jnp.maximum(pjl, 0)
    lanes = jax.lax.broadcasted_iota(jnp.int32, (ic.shape[0], 2 * SLOT), 1)
    own = (lanes >= SLOT) == ((ic & 1) == 1)
    ca_out[...] = jnp.where(own | pm, 1.0 - ALPHA, 1.0)
    cb_out[...] = jnp.where(own, ALPHA, 0.0)
    cc_out[...] = jnp.where((~own) & pm, ALPHA, 0.0)


def _jlast(write_idx):
    nblk = B_W // _WBLK
    return pl.pallas_call(
        _jlast_body,
        grid=(nblk,),
        in_specs=[
            pl.BlockSpec((_WBLK, 1), lambda i: (i, 0)),
            pl.BlockSpec((1, B_W), lambda i: (0, 0)),
        ],
        out_specs=[
            pl.BlockSpec((_WBLK, 1), lambda i: (i, 0)),
            pl.BlockSpec((_WBLK, 1), lambda i: (i, 0)),
            pl.BlockSpec((_WBLK, 2 * SLOT), lambda i: (i, 0)),
            pl.BlockSpec((_WBLK, 2 * SLOT), lambda i: (i, 0)),
            pl.BlockSpec((_WBLK, 2 * SLOT), lambda i: (i, 0)),
        ],
        out_shape=[
            jax.ShapeDtypeStruct((B_W, 1), jnp.int32),
            jax.ShapeDtypeStruct((B_W, 1), jnp.int32),
            jax.ShapeDtypeStruct((B_W, 2 * SLOT), jnp.float32),
            jax.ShapeDtypeStruct((B_W, 2 * SLOT), jnp.float32),
            jax.ShapeDtypeStruct((B_W, 2 * SLOT), jnp.float32),
        ],
    )(write_idx.reshape(B_W, 1), write_idx.reshape(1, B_W))



_NC = 2
_NS = 16
_NW = _NC * _NS
_PW = B_W // _NW


def _sc_scatter_body(vals_st,
                     idxp_hbm, jl_hbm, pjl_hbm, wvpad_hbm, ca_hbm, cb_hbm,
                     cc_hbm, vals_orig,
                     idx_v, jl_v, pjl_v, old_b, wva_b, wvb_b, ca_b, cb_b,
                     cc_b, sem0, sem1, sem2):
    wid = lax.axis_index("s") * _NC + lax.axis_index("c")
    pltpu.sync_copy(idxp_hbm.at[wid], idx_v)
    pltpu.sync_copy(jl_hbm.at[wid], jl_v)
    pltpu.sync_copy(pjl_hbm.at[wid], pjl_v)
    pltpu.sync_copy(ca_hbm.at[pl.ds(wid * _PW, _PW)], ca_b)
    pltpu.sync_copy(cb_hbm.at[pl.ds(wid * _PW, _PW)], cb_b)
    pltpu.sync_copy(cc_hbm.at[pl.ds(wid * _PW, _PW)], cc_b)
    g0 = pltpu.async_copy(vals_orig.at[idx_v], old_b, sem0)
    g1 = pltpu.async_copy(wvpad_hbm.at[jl_v], wva_b, sem1)
    g2 = pltpu.async_copy(wvpad_hbm.at[pjl_v], wvb_b, sem2)
    g0.wait()
    g1.wait()
    g2.wait()

    def _row(r, carry):
        for c in range(2 * SLOT // 16):
            sl = pl.ds(c * 16, 16)
            old_b[r, sl] = (old_b[r, sl] * ca_b[r, sl]
                            + wva_b[r, sl] * cb_b[r, sl]
                            + wvb_b[r, sl] * cc_b[r, sl])
        return carry

    lax.fori_loop(0, _PW, _row, 0)
    pltpu.async_copy(old_b, vals_st.at[idx_v], sem0).wait()


def _sc_scatter(vals_ref, idxp, jl, pjl, wvpad, ca, cb, cc, vals_orig):
    mesh = plsc.VectorSubcoreMesh(core_axis_name="c", subcore_axis_name="s")
    pl.kernel(
        _sc_scatter_body,
        out_type=(),
        mesh=mesh,
        scratch_types=[
            pltpu.VMEM((_PW,), jnp.int32),
            pltpu.VMEM((_PW,), jnp.int32),
            pltpu.VMEM((_PW,), jnp.int32),
            pltpu.VMEM((_PW, 2 * SLOT), jnp.float32),
            pltpu.VMEM((_PW, 2 * SLOT), jnp.float32),
            pltpu.VMEM((_PW, 2 * SLOT), jnp.float32),
            pltpu.VMEM((_PW, 2 * SLOT), jnp.float32),
            pltpu.VMEM((_PW, 2 * SLOT), jnp.float32),
            pltpu.VMEM((_PW, 2 * SLOT), jnp.float32),
            pltpu.SemaphoreType.DMA,
            pltpu.SemaphoreType.DMA,
            pltpu.SemaphoreType.DMA,
        ],
    )(vals_ref, idxp.reshape(_NW, _PW), jl.reshape(_NW, _PW),
      pjl.reshape(_NW, _PW), wvpad, ca, cb, cc, vals_orig)



_QBLK = 256
_CHUNK = 4000
_NCHUNK = MEM // _CHUNK


def _attn_body(q, keys, vals, bdy, usage, w3, b3, w4, b4,
               read_out, bodyv_out,
               qn_s, m_s, l_s, lp_s, acc_s, accb_s):
    ph = pl.program_id(1)
    ci = pl.program_id(2)

    @pl.when((ph == 0) & (ci == 0))
    def _init():
        qv = q[...]
        qn_s[...] = qv / (jnp.sqrt(jnp.sum(qv * qv, axis=1, keepdims=True)) + 1e-12)
        m_s[...] = jnp.full_like(m_s[...], -jnp.inf)
        l_s[...] = jnp.zeros_like(l_s[...])
        acc_s[...] = jnp.zeros_like(acc_s[...])
        accb_s[...] = jnp.zeros_like(accb_s[...])

    k = keys[...]
    kn = k / (jnp.sqrt(jnp.sum(k * k, axis=1, keepdims=True)) + 1e-12)
    sdot = jax.lax.dot_general(qn_s[...], kn, (((1,), (1,)), ((), ())),
                               preferred_element_type=jnp.float32)
    mask = (usage[0] * DECAY) > 0.05
    logit = jnp.where(mask, 5.0 * sdot, 0.0)

    @pl.when(ph == 0)
    def _pass0():
        m_s[...] = jnp.maximum(m_s[...], jnp.max(logit, axis=1, keepdims=True))
        l_s[...] = l_s[...] + jnp.sum(jnp.exp(logit), axis=1, keepdims=True)

    @pl.when(ph == 1)
    def _pass1():
        @pl.when(ci == 0)
        def _mklp():
            lp_s[...] = l_s[...] * jnp.exp(-m_s[...])

        w = jnp.exp(logit - m_s[...]) / lp_s[...]
        acc_s[...] = acc_s[...] + jnp.dot(w, vals[...],
                                          preferred_element_type=jnp.float32)
        accb_s[...] = accb_s[...] + jnp.dot(w, bdy[...],
                                            preferred_element_type=jnp.float32)

    @pl.when((ph == 1) & (ci == _NCHUNK - 1))
    def _fin():
        read_out[...] = acc_s[...]
        bodyv_out[...] = accb_s[...]


def _read_attention(query, keys, vals_new, body_new, usage_eff, W3, b3, W4, b4):
    grid = (B_Q // _QBLK, 2, _NCHUNK)
    ck = lambda qi, ph, ci: (ci, 0)
    return pl.pallas_call(
        _attn_body,
        grid=grid,
        in_specs=[
            pl.BlockSpec((_QBLK, SLOT), lambda qi, ph, ci: (qi, 0)),
            pl.BlockSpec((_CHUNK, SLOT), ck),
            pl.BlockSpec((_CHUNK, SLOT), ck),
            pl.BlockSpec((_CHUNK, BODY), ck),
            pl.BlockSpec((1, 1, _CHUNK), lambda qi, ph, ci: (ci, 0, 0)),
            pl.BlockSpec((SLOT + BODY, HID), lambda qi, ph, ci: (0, 0)),
            pl.BlockSpec((1, HID), lambda qi, ph, ci: (0, 0)),
            pl.BlockSpec((HID, SPATIAL), lambda qi, ph, ci: (0, 0)),
            pl.BlockSpec((1, SPATIAL), lambda qi, ph, ci: (0, 0)),
        ],
        out_specs=[
            pl.BlockSpec((_QBLK, SLOT), lambda qi, ph, ci: (qi, 0)),
            pl.BlockSpec((_QBLK, BODY), lambda qi, ph, ci: (qi, 0)),
        ],
        out_shape=[
            jax.ShapeDtypeStruct((B_Q, SLOT), jnp.float32),
            jax.ShapeDtypeStruct((B_Q, BODY), jnp.float32),
        ],
        scratch_shapes=[
            pltpu.VMEM((_QBLK, SLOT), jnp.float32),
            pltpu.VMEM((_QBLK, 1), jnp.float32),
            pltpu.VMEM((_QBLK, 1), jnp.float32),
            pltpu.VMEM((_QBLK, 1), jnp.float32),
            pltpu.VMEM((_QBLK, SLOT), jnp.float32),
            pltpu.VMEM((_QBLK, BODY), jnp.float32),
        ],
        compiler_params=pltpu.CompilerParams(
            dimension_semantics=("parallel", "arbitrary", "arbitrary"),
        ),
    )(query, keys, vals_new, body_new,
      usage_eff.reshape(_NCHUNK, 1, _CHUNK), W3, b3.reshape(1, HID),
      W4, b4.reshape(1, SPATIAL))




def kernel(slot_before, slot_after, action, body, write_idx, query_slot,
           memory_keys, mem_values, mem_body, mem_usage,
           W1, b1, W2, b2, W3, b3, W4, b4):
    write_idx = write_idx.astype(jnp.int32)
    wvpad = _write_mlp(slot_before, slot_after, action, W1, b1, W2, b2)
    jl, pjl, ca, cb, cc = _jlast(write_idx)
    jl = jl.reshape(B_W)
    pjl = pjl.reshape(B_W)

    vals_pairs = mem_values.reshape(MEM // 2, 2 * SLOT)
    vals_ref = jax.new_ref(vals_pairs)
    _sc_scatter(vals_ref, write_idx // 2, jl, pjl, wvpad, ca, cb, cc,
                vals_pairs)
    vals_new = vals_ref[...].reshape(MEM, SLOT)

    body_new = mem_body.at[write_idx].set(body[jl])
    usage_eff = mem_usage.at[write_idx].set(2.0)

    read_vec, body_vec = _read_attention(query_slot, memory_keys, vals_new,
                                         body_new, usage_eff, W3, b3, W4, b4)
    dec_in = jnp.concatenate([read_vec, body_vec], axis=-1)
    h2 = jax.nn.gelu(dec_in @ W3 + b3, approximate=False)
    spatial_logits = h2 @ W4 + b4
    probs = jax.nn.sigmoid(spatial_logits)
    tv, ti = jax.lax.top_k(probs, 3)
    return probs, tv, ti, vals_new

# --- scband reference (transcript-rebuilt; emitter-appended) ---
"""Pipeline reference for scband-interventional-spatial-memory-70617852281285 (READ-ONLY COPY).

The authoritative reference and input builder live on the scoring server;
editing this copy changes nothing except your own understanding.
"""

import jax, jax.numpy as jnp
import numpy as np

SLOT = 64
BODY = 16
ACT = 16
MEM = 100000
HID = 64
SPATIAL = 16
ALPHA = 0.3
DECAY = 0.95
B_W = 4096
B_Q = 1024


def setup_inputs(seed: int = 0) -> dict:
    key = jax.random.key(seed)
    ks = jax.random.split(key, 20)
    inp = {}
    inp["slot_before"] = jax.random.normal(ks[0], (B_W, SLOT), dtype=jnp.float32)
    inp["slot_after"] = jax.random.normal(ks[1], (B_W, SLOT), dtype=jnp.float32)
    inp["action"] = jax.random.normal(ks[2], (B_W, ACT), dtype=jnp.float32)
    inp["body"] = jax.random.normal(ks[3], (B_W, BODY), dtype=jnp.float32)
    inp["write_idx"] = jax.random.randint(ks[4], (B_W,), 0, MEM, dtype=jnp.int64 if jax.config.jax_enable_x64 else jnp.int32)
    inp["query_slot"] = jax.random.normal(ks[5], (B_Q, SLOT), dtype=jnp.float32)
    # learned parameters / persistent memory state
    inp["memory_keys"] = jax.random.normal(ks[6], (MEM, SLOT), dtype=jnp.float32) * 0.1
    inp["mem_values"] = jax.random.normal(ks[7], (MEM, SLOT), dtype=jnp.float32) * 0.1
    inp["mem_body"] = jax.random.normal(ks[8], (MEM, BODY), dtype=jnp.float32) * 0.1
    inp["mem_usage"] = jax.random.uniform(ks[9], (MEM,), dtype=jnp.float32)
    s1 = 0.4 / np.sqrt(2 * SLOT + ACT)
    inp["W1"] = jax.random.normal(ks[10], (2 * SLOT + ACT, HID), dtype=jnp.float32) * s1
    inp["b1"] = jnp.zeros((HID,), dtype=jnp.float32)
    inp["W2"] = jax.random.normal(ks[11], (HID, SLOT), dtype=jnp.float32) * (0.4 / np.sqrt(HID))
    inp["b2"] = jnp.zeros((SLOT,), dtype=jnp.float32)
    inp["W3"] = jax.random.normal(ks[12], (SLOT + BODY, HID), dtype=jnp.float32) * (0.4 / np.sqrt(SLOT + BODY))
    inp["b3"] = jnp.zeros((HID,), dtype=jnp.float32)
    inp["W4"] = jax.random.normal(ks[13], (HID, SPATIAL), dtype=jnp.float32) * (0.4 / np.sqrt(HID))
    inp["b4"] = jnp.zeros((SPATIAL,), dtype=jnp.float32)
    return inp


def _l2norm(x):
    return x / (jnp.linalg.norm(x, axis=-1, keepdims=True) + 1e-12)


def reference(slot_before, slot_after, action, body, write_idx, query_slot,
              memory_keys, mem_values, mem_body, mem_usage,
              W1, b1, W2, b2, W3, b3, W4, b4):
    # --- write phase (batched version of InterventionalSpatialMemory.write) ---
    write_in = jnp.concatenate([slot_before, slot_after, action], axis=-1)
    h = jax.nn.gelu(write_in @ W1 + b1, approximate=False)
    write_vec = h @ W2 + b2
    old = mem_values[write_idx]                      # gather
    new_vals = (1.0 - ALPHA) * old + ALPHA * write_vec
    mem_values = mem_values.at[write_idx].set(new_vals)   # scatter-overwrite
    mem_body = mem_body.at[write_idx].set(body)            # scatter-overwrite
    usage = mem_usage * DECAY
    usage = usage.at[write_idx].set(1.0)
    # --- read phase (batched version of InterventionalSpatialMemory.read) ---
    keys_n = _l2norm(memory_keys)
    q_n = _l2norm(query_slot)
    attn = q_n @ keys_n.T                            # [B_Q, MEM]
    usage_mask = (usage > 0.05).astype(attn.dtype)
    attn = attn * usage_mask[None, :]
    weights = jax.nn.softmax(attn * 5.0, axis=-1)
    read_vec = weights @ mem_values                  # [B_Q, SLOT]
    body_vec = weights @ mem_body                    # [B_Q, BODY]
    dec_in = jnp.concatenate([read_vec, body_vec], axis=-1)
    h2 = jax.nn.gelu(dec_in @ W3 + b3, approximate=False)
    spatial_logits = h2 @ W4 + b4
    spatial_probs = jax.nn.sigmoid(spatial_logits)
    top_vals, top_idx = jax.lax.top_k(spatial_probs, 3)
    return spatial_probs, top_vals, top_idx, mem_values

if __name__ == "__main__":
    import jax
    _d = setup_inputs()
    print(jax.jit(kernel)(*tuple(_d.values())))

</pallas_src>

<mosaic_0001>
#map = affine_map<(d0, d1) -> (0, 0)>
module attributes {stable_mosaic.version = 14 : i64} {
  func.func @new_body(%arg0: i32, %arg1: i32, %arg2: memref<50000x128xf32, #tpu.memory_space<hbm>>, %arg3: memref<32x128xi32, #tpu.memory_space<hbm>>, %arg4: memref<32x128xi32, #tpu.memory_space<hbm>>, %arg5: memref<32x128xi32, #tpu.memory_space<hbm>>, %arg6: memref<4096x128xf32, #tpu.memory_space<hbm>>, %arg7: memref<4096x128xf32, #tpu.memory_space<hbm>>, %arg8: memref<4096x128xf32, #tpu.memory_space<hbm>>, %arg9: memref<4096x128xf32, #tpu.memory_space<hbm>>, %arg10: memref<50000x128xf32, #tpu.memory_space<hbm>>, %arg11: memref<50000x128xf32, #tpu.memory_space<hbm>>, %arg12: memref<128xi32, #tpu.memory_space<vmem>>, %arg13: memref<128xi32, #tpu.memory_space<vmem>>, %arg14: memref<128xi32, #tpu.memory_space<vmem>>, %arg15: memref<128x128xf32, #tpu.memory_space<vmem>>, %arg16: memref<128x128xf32, #tpu.memory_space<vmem>>, %arg17: memref<128x128xf32, #tpu.memory_space<vmem>>, %arg18: memref<128x128xf32, #tpu.memory_space<vmem>>, %arg19: memref<128x128xf32, #tpu.memory_space<vmem>>, %arg20: memref<128x128xf32, #tpu.memory_space<vmem>>, %arg21: memref<!tpu.dma_semaphore, #tpu.memory_space<semaphore_mem>>, %arg22: memref<!tpu.dma_semaphore, #tpu.memory_space<semaphore_mem>>, %arg23: memref<!tpu.dma_semaphore, #tpu.memory_space<semaphore_mem>>) attributes {dimension_semantics = [#tpu.dimension_semantics<core_parallel>, #tpu.dimension_semantics<subcore_parallel>], iteration_bounds = array<i64: 2, 16>, scalar_prefetch = 0 : i64, scratch_operands = 12 : i64, tpu.core_type = #tpu.core_type<sc_vector_subcore>, window_params = [{transform_indices = #map}, {transform_indices = #map}, {transform_indices = #map}, {transform_indices = #map}, {transform_indices = #map}, {transform_indices = #map}, {transform_indices = #map}, {transform_indices = #map}, {transform_indices = #map}, {transform_indices = #map}]} {
    %mul3A = arith.constant 2 : i32
    %mul3A_0 = arith.muli %arg1, %mul3A : i32
    %add3A = arith.addi %mul3A_0, %arg0 : i32
    "tpu.region"() ({
      %run_scoped3A = tpu.sem_alloc : memref<!tpu.dma_semaphore, #tpu.memory_space<semaphore_mem>>
      %dma_start3A_34 = arith.constant 0 : i32
      %dma_start3A_35 = tpu.memref_slice %arg3[%add3A, %dma_start3A_34] : memref<32x128xi32, #tpu.memory_space<hbm>> -> memref<1x128xi32, #tpu.memory_space<hbm>>
      %dma_start3A_36 = tpu.memref_squeeze %dma_start3A_35 : memref<1x128xi32, #tpu.memory_space<hbm>> -> memref<128xi32, #tpu.memory_space<hbm>>
      %dma_start3A_37 = arith.constant 0 : i32
      %dma_start3A_38 = tpu.memref_slice %arg3[%add3A, %dma_start3A_37] : memref<32x128xi32, #tpu.memory_space<hbm>> -> memref<1x128xi32, #tpu.memory_space<hbm>>
      %dma_start3A_39 = tpu.memref_squeeze %dma_start3A_38 : memref<1x128xi32, #tpu.memory_space<hbm>> -> memref<128xi32, #tpu.memory_space<hbm>>
      tpu.enqueue_dma source(%dma_start3A_39 : memref<128xi32, #tpu.memory_space<hbm>>) target(%arg12 : memref<128xi32, #tpu.memory_space<vmem>>) target_semaphore(%run_scoped3A : memref<!tpu.dma_semaphore, #tpu.memory_space<semaphore_mem>>)
      %dma_wait3A_40 = arith.constant 0 : i32
      %dma_wait3A_41 = tpu.memref_slice %arg3[%add3A, %dma_wait3A_40] : memref<32x128xi32, #tpu.memory_space<hbm>> -> memref<1x128xi32, #tpu.memory_space<hbm>>
      %dma_wait3A_42 = tpu.memref_squeeze %dma_wait3A_41 : memref<1x128xi32, #tpu.memory_space<hbm>> -> memref<128xi32, #tpu.memory_space<hbm>>
      %dma_wait3A_43 = arith.constant 0 : i32
      %dma_wait3A_44 = tpu.memref_slice %arg3[%add3A, %dma_wait3A_43] : memref<32x128xi32, #tpu.memory_space<hbm>> -> memref<1x128xi32, #tpu.memory_space<hbm>>
      %dma_wait3A_45 = tpu.memref_squeeze %dma_wait3A_44 : memref<1x128xi32, #tpu.memory_space<hbm>> -> memref<128xi32, #tpu.memory_space<hbm>>
      tpu.wait_dma2 semaphore(%run_scoped3A : memref<!tpu.dma_semaphore, #tpu.memory_space<semaphore_mem>>) src(%dma_wait3A_45 : memref<128xi32, #tpu.memory_space<hbm>>) dst(%arg12 : memref<128xi32, #tpu.memory_space<vmem>>)
      tpu.yield
    }) : () -> ()
    "tpu.region"() ({
      %run_scoped3A = tpu.sem_alloc : memref<!tpu.dma_semaphore, #tpu.memory_space<semaphore_mem>>
      %dma_start3A_34 = arith.constant 0 : i32
      %dma_start3A_35 = tpu.memref_slice %arg4[%add3A, %dma_start3A_34] : memref<32x128xi32, #tpu.memory_space<hbm>> -> memref<1x128xi32, #tpu.memory_space<hbm>>
      %dma_start3A_36 = tpu.memref_squeeze %dma_start3A_35 : memref<1x128xi32, #tpu.memory_space<hbm>> -> memref<128xi32, #tpu.memory_space<hbm>>
      %dma_start3A_37 = arith.constant 0 : i32
      %dma_start3A_38 = tpu.memref_slice %arg4[%add3A, %dma_start3A_37] : memref<32x128xi32, #tpu.memory_space<hbm>> -> memref<1x128xi32, #tpu.memory_space<hbm>>
      %dma_start3A_39 = tpu.memref_squeeze %dma_start3A_38 : memref<1x128xi32, #tpu.memory_space<hbm>> -> memref<128xi32, #tpu.memory_space<hbm>>
      tpu.enqueue_dma source(%dma_start3A_39 : memref<128xi32, #tpu.memory_space<hbm>>) target(%arg13 : memref<128xi32, #tpu.memory_space<vmem>>) target_semaphore(%run_scoped3A : memref<!tpu.dma_semaphore, #tpu.memory_space<semaphore_mem>>)
      %dma_wait3A_40 = arith.constant 0 : i32
      %dma_wait3A_41 = tpu.memref_slice %arg4[%add3A, %dma_wait3A_40] : memref<32x128xi32, #tpu.memory_space<hbm>> -> memref<1x128xi32, #tpu.memory_space<hbm>>
      %dma_wait3A_42 = tpu.memref_squeeze %dma_wait3A_41 : memref<1x128xi32, #tpu.memory_space<hbm>> -> memref<128xi32, #tpu.memory_space<hbm>>
      %dma_wait3A_43 = arith.constant 0 : i32
      %dma_wait3A_44 = tpu.memref_slice %arg4[%add3A, %dma_wait3A_43] : memref<32x128xi32, #tpu.memory_space<hbm>> -> memref<1x128xi32, #tpu.memory_space<hbm>>
      %dma_wait3A_45 = tpu.memref_squeeze %dma_wait3A_44 : memref<1x128xi32, #tpu.memory_space<hbm>> -> memref<128xi32, #tpu.memory_space<hbm>>
      tpu.wait_dma2 semaphore(%run_scoped3A : memref<!tpu.dma_semaphore, #tpu.memory_space<semaphore_mem>>) src(%dma_wait3A_45 : memref<128xi32, #tpu.memory_space<hbm>>) dst(%arg13 : memref<128xi32, #tpu.memory_space<vmem>>)
      tpu.yield
    }) : () -> ()
    "tpu.region"() ({
      %run_scoped3A = tpu.sem_alloc : memref<!tpu.dma_semaphore, #tpu.memory_space<semaphore_mem>>
      %dma_start3A_34 = arith.constant 0 : i32
      %dma_start3A_35 = tpu.memref_slice %arg5[%add3A, %dma_start3A_34] : memref<32x128xi32, #tpu.memory_space<hbm>> -> memref<1x128xi32, #tpu.memory_space<hbm>>
      %dma_start3A_36 = tpu.memref_squeeze %dma_start3A_35 : memref<1x128xi32, #tpu.memory_space<hbm>> -> memref<128xi32, #tpu.memory_space<hbm>>
      %dma_start3A_37 = arith.constant 0 : i32
      %dma_start3A_38 = tpu.memref_slice %arg5[%add3A, %dma_start3A_37] : memref<32x128xi32, #tpu.memory_space<hbm>> -> memref<1x128xi32, #tpu.memory_space<hbm>>
      %dma_start3A_39 = tpu.memref_squeeze %dma_start3A_38 : memref<1x128xi32, #tpu.memory_space<hbm>> -> memref<128xi32, #tpu.memory_space<hbm>>
      tpu.enqueue_dma source(%dma_start3A_39 : memref<128xi32, #tpu.memory_space<hbm>>) target(%arg14 : memref<128xi32, #tpu.memory_space<vmem>>) target_semaphore(%run_scoped3A : memref<!tpu.dma_semaphore, #tpu.memory_space<semaphore_mem>>)
      %dma_wait3A_40 = arith.constant 0 : i32
      %dma_wait3A_41 = tpu.memref_slice %arg5[%add3A, %dma_wait3A_40] : memref<32x128xi32, #tpu.memory_space<hbm>> -> memref<1x128xi32, #tpu.memory_space<hbm>>
      %dma_wait3A_42 = tpu.memref_squeeze %dma_wait3A_41 : memref<1x128xi32, #tpu.memory_space<hbm>> -> memref<128xi32, #tpu.memory_space<hbm>>
      %dma_wait3A_43 = arith.constant 0 : i32
      %dma_wait3A_44 = tpu.memref_slice %arg5[%add3A, %dma_wait3A_43] : memref<32x128xi32, #tpu.memory_space<hbm>> -> memref<1x128xi32, #tpu.memory_space<hbm>>
      %dma_wait3A_45 = tpu.memref_squeeze %dma_wait3A_44 : memref<1x128xi32, #tpu.memory_space<hbm>> -> memref<128xi32, #tpu.memory_space<hbm>>
      tpu.wait_dma2 semaphore(%run_scoped3A : memref<!tpu.dma_semaphore, #tpu.memory_space<semaphore_mem>>) src(%dma_wait3A_45 : memref<128xi32, #tpu.memory_space<hbm>>) dst(%arg14 : memref<128xi32, #tpu.memory_space<vmem>>)
      tpu.yield
    }) : () -> ()
    %mul3A_1 = arith.constant 128 : i32
    %mul3A_2 = arith.muli %add3A, %mul3A_1 : i32
    "tpu.region"() ({
      %run_scoped3A = tpu.sem_alloc : memref<!tpu.dma_semaphore, #tpu.memory_space<semaphore_mem>>
      %dma_start3A_34 = arith.constant 0 : i32
      %dma_start3A_35 = tpu.memref_slice %arg7[%mul3A_2, %dma_start3A_34] : memref<4096x128xf32, #tpu.memory_space<hbm>> -> memref<128x128xf32, #tpu.memory_space<hbm>>
      %dma_start3A_36 = arith.constant 0 : i32
      %dma_start3A_37 = tpu.memref_slice %arg7[%mul3A_2, %dma_start3A_36] : memref<4096x128xf32, #tpu.memory_space<hbm>> -> memref<128x128xf32, #tpu.memory_space<hbm>>
      tpu.enqueue_dma source(%dma_start3A_37 : memref<128x128xf32, #tpu.memory_space<hbm>>) target(%arg18 : memref<128x128xf32, #tpu.memory_space<vmem>>) target_semaphore(%run_scoped3A : memref<!tpu.dma_semaphore, #tpu.memory_space<semaphore_mem>>)
      %dma_wait3A_38 = arith.constant 0 : i32
      %dma_wait3A_39 = tpu.memref_slice %arg7[%mul3A_2, %dma_wait3A_38] : memref<4096x128xf32, #tpu.memory_space<hbm>> -> memref<128x128xf32, #tpu.memory_space<hbm>>
      %dma_wait3A_40 = arith.constant 0 : i32
      %dma_wait3A_41 = tpu.memref_slice %arg7[%mul3A_2, %dma_wait3A_40] : memref<4096x128xf32, #tpu.memory_space<hbm>> -> memref<128x128xf32, #tpu.memory_space<hbm>>
      tpu.wait_dma2 semaphore(%run_scoped3A : memref<!tpu.dma_semaphore, #tpu.memory_space<semaphore_mem>>) src(%dma_wait3A_41 : memref<128x128xf32, #tpu.memory_space<hbm>>) dst(%arg18 : memref<128x128xf32, #tpu.memory_space<vmem>>)
      tpu.yield
    }) : () -> ()
    %mul3A_3 = arith.constant 128 : i32
    %mul3A_4 = arith.muli %add3A, %mul3A_3 : i32
    "tpu.region"() ({
      %run_scoped3A = tpu.sem_alloc : memref<!tpu.dma_semaphore, #tpu.memory_space<semaphore_mem>>
      %dma_start3A_34 = arith.constant 0 : i32
      %dma_start3A_35 = tpu.memref_slice %arg8[%mul3A_4, %dma_start3A_34] : memref<4096x128xf32, #tpu.memory_space<hbm>> -> memref<128x128xf32, #tpu.memory_space<hbm>>
      %dma_start3A_36 = arith.constant 0 : i32
      %dma_start3A_37 = tpu.memref_slice %arg8[%mul3A_4, %dma_start3A_36] : memref<4096x128xf32, #tpu.memory_space<hbm>> -> memref<128x128xf32, #tpu.memory_space<hbm>>
      tpu.enqueue_dma source(%dma_start3A_37 : memref<128x128xf32, #tpu.memory_space<hbm>>) target(%arg19 : memref<128x128xf32, #tpu.memory_space<vmem>>) target_semaphore(%run_scoped3A : memref<!tpu.dma_semaphore, #tpu.memory_space<semaphore_mem>>)
      %dma_wait3A_38 = arith.constant 0 : i32
      %dma_wait3A_39 = tpu.memref_slice %arg8[%mul3A_4, %dma_wait3A_38] : memref<4096x128xf32, #tpu.memory_space<hbm>> -> memref<128x128xf32, #tpu.memory_space<hbm>>
      %dma_wait3A_40 = arith.constant 0 : i32
      %dma_wait3A_41 = tpu.memref_slice %arg8[%mul3A_4, %dma_wait3A_40] : memref<4096x128xf32, #tpu.memory_space<hbm>> -> memref<128x128xf32, #tpu.memory_space<hbm>>
      tpu.wait_dma2 semaphore(%run_scoped3A : memref<!tpu.dma_semaphore, #tpu.memory_space<semaphore_mem>>) src(%dma_wait3A_41 : memref<128x128xf32, #tpu.memory_space<hbm>>) dst(%arg19 : memref<128x128xf32, #tpu.memory_space<vmem>>)
      tpu.yield
    }) : () -> ()
    %mul3A_5 = arith.constant 128 : i32
    %mul3A_6 = arith.muli %add3A, %mul3A_5 : i32
    "tpu.region"() ({
      %run_scoped3A = tpu.sem_alloc : memref<!tpu.dma_semaphore, #tpu.memory_space<semaphore_mem>>
      %dma_start3A_34 = arith.constant 0 : i32
      %dma_start3A_35 = tpu.memref_slice %arg9[%mul3A_6, %dma_start3A_34] : memref<4096x128xf32, #tpu.memory_space<hbm>> -> memref<128x128xf32, #tpu.memory_space<hbm>>
      %dma_start3A_36 = arith.constant 0 : i32
      %dma_start3A_37 = tpu.memref_slice %arg9[%mul3A_6, %dma_start3A_36] : memref<4096x128xf32, #tpu.memory_space<hbm>> -> memref<128x128xf32, #tpu.memory_space<hbm>>
      tpu.enqueue_dma source(%dma_start3A_37 : memref<128x128xf32, #tpu.memory_space<hbm>>) target(%arg20 : memref<128x128xf32, #tpu.memory_space<vmem>>) target_semaphore(%run_scoped3A : memref<!tpu.dma_semaphore, #tpu.memory_space<semaphore_mem>>)
      %dma_wait3A_38 = arith.constant 0 : i32
      %dma_wait3A_39 = tpu.memref_slice %arg9[%mul3A_6, %dma_wait3A_38] : memref<4096x128xf32, #tpu.memory_space<hbm>> -> memref<128x128xf32, #tpu.memory_space<hbm>>
      %dma_wait3A_40 = arith.constant 0 : i32
      %dma_wait3A_41 = tpu.memref_slice %arg9[%mul3A_6, %dma_wait3A_40] : memref<4096x128xf32, #tpu.memory_space<hbm>> -> memref<128x128xf32, #tpu.memory_space<hbm>>
      tpu.wait_dma2 semaphore(%run_scoped3A : memref<!tpu.dma_semaphore, #tpu.memory_space<semaphore_mem>>) src(%dma_wait3A_41 : memref<128x128xf32, #tpu.memory_space<hbm>>) dst(%arg20 : memref<128x128xf32, #tpu.memory_space<vmem>>)
      tpu.yield
    }) : () -> ()
    %dma_start3A = arith.constant 0 : i32
    %dma_start3A_7 = arith.constant 0 : i32
    %dma_start3A_8 = tpu.memref_slice %arg10[%dma_start3A, %dma_start3A_7] : memref<50000x128xf32, #tpu.memory_space<hbm>> -> memref<50000x128xf32, #tpu.memory_space<hbm>>
    tpu.enqueue_indirect_dma source(%dma_start3A_8 : memref<50000x128xf32, #tpu.memory_space<hbm>>) target(%arg15 : memref<128x128xf32, #tpu.memory_space<vmem>>) offsets(%arg12 : memref<128xi32, #tpu.memory_space<vmem>>) semaphore(%arg21 : memref<!tpu.dma_semaphore, #tpu.memory_space<semaphore_mem>>)
    %dma_start3A_9 = arith.constant 0 : i32
    %dma_start3A_10 = arith.constant 0 : i32
    %dma_start3A_11 = tpu.memref_slice %arg6[%dma_start3A_9, %dma_start3A_10] : memref<4096x128xf32, #tpu.memory_space<hbm>> -> memref<4096x128xf32, #tpu.memory_space<hbm>>
    tpu.enqueue_indirect_dma source(%dma_start3A_11 : memref<4096x128xf32, #tpu.memory_space<hbm>>) target(%arg16 : memref<128x128xf32, #tpu.memory_space<vmem>>) offsets(%arg13 : memref<128xi32, #tpu.memory_space<vmem>>) semaphore(%arg22 : memref<!tpu.dma_semaphore, #tpu.memory_space<semaphore_mem>>)
    %dma_start3A_12 = arith.constant 0 : i32
    %dma_start3A_13 = arith.constant 0 : i32
    %dma_start3A_14 = tpu.memref_slice %arg6[%dma_start3A_12, %dma_start3A_13] : memref<4096x128xf32, #tpu.memory_space<hbm>> -> memref<4096x128xf32, #tpu.memory_space<hbm>>
    tpu.enqueue_indirect_dma source(%dma_start3A_14 : memref<4096x128xf32, #tpu.memory_space<hbm>>) target(%arg17 : memref<128x128xf32, #tpu.memory_space<vmem>>) offsets(%arg14 : memref<128xi32, #tpu.memory_space<vmem>>) semaphore(%arg23 : memref<!tpu.dma_semaphore, #tpu.memory_space<semaphore_mem>>)
    %dma_wait3A = arith.constant 0 : i32
    %dma_wait3A_15 = arith.constant 0 : i32
    %dma_wait3A_16 = tpu.memref_slice %arg10[%dma_wait3A, %dma_wait3A_15] : memref<50000x128xf32, #tpu.memory_space<hbm>> -> memref<50000x128xf32, #tpu.memory_space<hbm>>
    tpu.wait_indirect_dma semaphore(%arg21 : memref<!tpu.dma_semaphore, #tpu.memory_space<semaphore_mem>>) src(%dma_wait3A_16 : memref<50000x128xf32, #tpu.memory_space<hbm>>) dst(%arg15 : memref<128x128xf32, #tpu.memory_space<vmem>>)
    %dma_wait3A_17 = arith.constant 0 : i32
    %dma_wait3A_18 = arith.constant 0 : i32
    %dma_wait3A_19 = tpu.memref_slice %arg6[%dma_wait3A_17, %dma_wait3A_18] : memref<4096x128xf32, #tpu.memory_space<hbm>> -> memref<4096x128xf32, #tpu.memory_space<hbm>>
    tpu.wait_indirect_dma semaphore(%arg22 : memref<!tpu.dma_semaphore, #tpu.memory_space<semaphore_mem>>) src(%dma_wait3A_19 : memref<4096x128xf32, #tpu.memory_space<hbm>>) dst(%arg16 : memref<128x128xf32, #tpu.memory_space<vmem>>)
    %dma_wait3A_20 = arith.constant 0 : i32
    %dma_wait3A_21 = arith.constant 0 : i32
    %dma_wait3A_22 = tpu.memref_slice %arg6[%dma_wait3A_20, %dma_wait3A_21] : memref<4096x128xf32, #tpu.memory_space<hbm>> -> memref<4096x128xf32, #tpu.memory_space<hbm>>
    tpu.wait_indirect_dma semaphore(%arg23 : memref<!tpu.dma_semaphore, #tpu.memory_space<semaphore_mem>>) src(%dma_wait3A_22 : memref<4096x128xf32, #tpu.memory_space<hbm>>) dst(%arg17 : memref<128x128xf32, #tpu.memory_space<vmem>>)
    %scan3A = arith.constant 0 : i32
    %scan3A_23 = arith.constant 0 : i32
    %scan3A_24 = arith.constant 128 : i32
    %scan3A_25 = arith.addi %scan3A_23, %scan3A_24 : i32
    %scan3A_26 = arith.constant 1 : i32
    scf.for %scan3A_34 = %scan3A_23 to %scan3A_25 step %scan3A_26  : i32 {
      %get3A = arith.index_cast %scan3A_34 : i32 to index
      %get3A_35 = arith.constant 0 : index
      %get3A_36 = tpu.vector_load %arg15[%get3A, %get3A_35] {strides = array<i32>} : memref<128x128xf32, #tpu.memory_space<vmem>>, vector<1x16xf32>,
      %get3A_37 = vector.shape_cast %get3A_36 : vector<1x16xf32> to vector<16xf32>
      %get3A_38 = arith.index_cast %scan3A_34 : i32 to index
      %get3A_39 = arith.constant 0 : index
      %get3A_40 = tpu.vector_load %arg18[%get3A_38, %get3A_39] {strides = array<i32>} : memref<128x128xf32, #tpu.memory_space<vmem>>, vector<1x16xf32>,
      %get3A_41 = vector.shape_cast %get3A_40 : vector<1x16xf32> to vector<16xf32>
      %mul3A_42 = arith.mulf %get3A_37, %get3A_41 : vector<16xf32>
      %get3A_43 = arith.index_cast %scan3A_34 : i32 to index
      %get3A_44 = arith.constant 0 : index
      %get3A_45 = tpu.vector_load %arg16[%get3A_43, %get3A_44] {strides = array<i32>} : memref<128x128xf32, #tpu.memory_space<vmem>>, vector<1x16xf32>,
      %get3A_46 = vector.shape_cast %get3A_45 : vector<1x16xf32> to vector<16xf32>
      %get3A_47 = arith.index_cast %scan3A_34 : i32 to index
      %get3A_48 = arith.constant 0 : index
      %get3A_49 = tpu.vector_load %arg19[%get3A_47, %get3A_48] {strides = array<i32>} : memref<128x128xf32, #tpu.memory_space<vmem>>, vector<1x16xf32>,
      %get3A_50 = vector.shape_cast %get3A_49 : vector<1x16xf32> to vector<16xf32>
      %mul3A_51 = arith.mulf %get3A_46, %get3A_50 : vector<16xf32>
      %add3A_52 = arith.addf %mul3A_42, %mul3A_51 : vector<16xf32>
      %get3A_53 = arith.index_cast %scan3A_34 : i32 to index
      %get3A_54 = arith.constant 0 : index
      %get3A_55 = tpu.vector_load %arg17[%get3A_53, %get3A_54] {strides = array<i32>} : memref<128x128xf32, #tpu.memory_space<vmem>>, vector<1x16xf32>,
      %get3A_56 = vector.shape_cast %get3A_55 : vector<1x16xf32> to vector<16xf32>
      %get3A_57 = arith.index_cast %scan3A_34 : i32 to index
      %get3A_58 = arith.constant 0 : index
      %get3A_59 = tpu.vector_load %arg20[%get3A_57, %get3A_58] {strides = array<i32>} : memref<128x128xf32, #tpu.memory_space<vmem>>, vector<1x16xf32>,
      %get3A_60 = vector.shape_cast %get3A_59 : vector<1x16xf32> to vector<16xf32>
      %mul3A_61 = arith.mulf %get3A_56, %get3A_60 : vector<16xf32>
      %add3A_62 = arith.addf %add3A_52, %mul3A_61 : vector<16xf32>
      %swap3A = arith.index_cast %scan3A_34 : i32 to index
      %swap3A_63 = arith.constant 0 : index
      %swap3A_64 = tpu.vector_load %arg15[%swap3A, %swap3A_63] {strides = array<i32>} : memref<128x128xf32, #tpu.memory_space<vmem>>, vector<1x16xf32>,
      %swap3A_65 = vector.shape_cast %swap3A_64 : vector<1x16xf32> to vector<16xf32>
      %swap3A_66 = vector.shape_cast %add3A_62 : vector<16xf32> to vector<1x16xf32>
      tpu.vector_store %arg15[%swap3A, %swap3A_63], %swap3A_66 {strides = array<i32>} : memref<128x128xf32, #tpu.memory_space<vmem>>, vector<1x16xf32>,
      %get3A_67 = arith.index_cast %scan3A_34 : i32 to index
      %get3A_68 = arith.constant 16 : index
      %get3A_69 = tpu.vector_load %arg15[%get3A_67, %get3A_68] {strides = array<i32>} : memref<128x128xf32, #tpu.memory_space<vmem>>, vector<1x16xf32>,
      %get3A_70 = vector.shape_cast %get3A_69 : vector<1x16xf32> to vector<16xf32>
      %get3A_71 = arith.index_cast %scan3A_34 : i32 to index
      %get3A_72 = arith.constant 16 : index
      %get3A_73 = tpu.vector_load %arg18[%get3A_71, %get3A_72] {strides = array<i32>} : memref<128x128xf32, #tpu.memory_space<vmem>>, vector<1x16xf32>,
      %get3A_74 = vector.shape_cast %get3A_73 : vector<1x16xf32> to vector<16xf32>
      %mul3A_75 = arith.mulf %get3A_70, %get3A_74 : vector<16xf32>
      %get3A_76 = arith.index_cast %scan3A_34 : i32 to index
      %get3A_77 = arith.constant 16 : index
      %get3A_78 = tpu.vector_load %arg16[%get3A_76, %get3A_77] {strides = array<i32>} : memref<128x128xf32, #tpu.memory_space<vmem>>, vector<1x16xf32>,
      %get3A_79 = vector.shape_cast %get3A_78 : vector<1x16xf32> to vector<16xf32>
      %get3A_80 = arith.index_cast %scan3A_34 : i32 to index
      %get3A_81 = arith.constant 16 : index
      %get3A_82 = tpu.vector_load %arg19[%get3A_80, %get3A_81] {strides = array<i32>} : memref<128x128xf32, #tpu.memory_space<vmem>>, vector<1x16xf32>,
      %get3A_83 = vector.shape_cast %get3A_82 : vector<1x16xf32> to vector<16xf32>
      %mul3A_84 = arith.mulf %get3A_79, %get3A_83 : vector<16xf32>
      %add3A_85 = arith.addf %mul3A_75, %mul3A_84 : vector<16xf32>
      %get3A_86 = arith.index_cast %scan3A_34 : i32 to index
      %get3A_87 = arith.constant 16 : index
      %get3A_88 = tpu.vector_load %arg17[%get3A_86, %get3A_87] {strides = array<i32>} : memref<128x128xf32, #tpu.memory_space<vmem>>, vector<1x16xf32>,
      %get3A_89 = vector.shape_cast %get3A_88 : vector<1x16xf32> to vector<16xf32>
      %get3A_90 = arith.index_cast %scan3A_34 : i32 to index
      %get3A_91 = arith.constant 16 : index
      %get3A_92 = tpu.vector_load %arg20[%get3A_90, %get3A_91] {strides = array<i32>} : memref<128x128xf32, #tpu.memory_space<vmem>>, vector<1x16xf32>,
      %get3A_93 = vector.shape_cast %get3A_92 : vector<1x16xf32> to vector<16xf32>
      %mul3A_94 = arith.mulf %get3A_89, %get3A_93 : vector<16xf32>
      %add3A_95 = arith.addf %add3A_85, %mul3A_94 : vector<16xf32>
      %swap3A_96 = arith.index_cast %scan3A_34 : i32 to index
      %swap3A_97 = arith.constant 16 : index
      %swap3A_98 = tpu.vector_load %arg15[%swap3A_96, %swap3A_97] {strides = array<i32>} : memref<128x128xf32, #tpu.memory_space<vmem>>, vector<1x16xf32>,
      %swap3A_99 = vector.shape_cast %swap3A_98 : vector<1x16xf32> to vector<16xf32>
      %swap3A_100 = vector.shape_cast %add3A_95 : vector<16xf32> to vector<1x16xf32>
      tpu.vector_store %arg15[%swap3A_96, %swap3A_97], %swap3A_100 {strides = array<i32>} : memref<128x128xf32, #tpu.memory_space<vmem>>, vector<1x16xf32>,
      %get3A_101 = arith.index_cast %scan3A_34 : i32 to index
      %get3A_102 = arith.constant 32 : index
      %get3A_103 = tpu.vector_load %arg15[%get3A_101, %get3A_102] {strides = array<i32>} : memref<128x128xf32, #tpu.memory_space<vmem>>, vector<1x16xf32>,
      %get3A_104 = vector.shape_cast %get3A_103 : vector<1x16xf32> to vector<16xf32>
      %get3A_105 = arith.index_cast %scan3A_34 : i32 to index
      %get3A_106 = arith.constant 32 : index
      %get3A_107 = tpu.vector_load %arg18[%get3A_105, %get3A_106] {strides = array<i32>} : memref<128x128xf32, #tpu.memory_space<vmem>>, vector<1x16xf32>,
      %get3A_108 = vector.shape_cast %get3A_107 : vector<1x16xf32> to vector<16xf32>
      %mul3A_109 = arith.mulf %get3A_104, %get3A_108 : vector<16xf32>
      %get3A_110 = arith.index_cast %scan3A_34 : i32 to index
      %get3A_111 = arith.constant 32 : index
      %get3A_112 = tpu.vector_load %arg16[%get3A_110, %get3A_111] {strides = array<i32>} : memref<128x128xf32, #tpu.memory_space<vmem>>, vector<1x16xf32>,
      %get3A_113 = vector.shape_cast %get3A_112 : vector<1x16xf32> to vector<16xf32>
      %get3A_114 = arith.index_cast %scan3A_34 : i32 to index
      %get3A_115 = arith.constant 32 : index
      %get3A_116 = tpu.vector_load %arg19[%get3A_114, %get3A_115] {strides = array<i32>} : memref<128x128xf32, #tpu.memory_space<vmem>>, vector<1x16xf32>,
      %get3A_117 = vector.shape_cast %get3A_116 : vector<1x16xf32> to vector<16xf32>
      %mul3A_118 = arith.mulf %get3A_113, %get3A_117 : vector<16xf32>
      %add3A_119 = arith.addf %mul3A_109, %mul3A_118 : vector<16xf32>
      %get3A_120 = arith.index_cast %scan3A_34 : i32 to index
      %get3A_121 = arith.constant 32 : index
      %get3A_122 = tpu.vector_load %arg17[%get3A_120, %get3A_121] {strides = array<i32>} : memref<128x128xf32, #tpu.memory_space<vmem>>, vector<1x16xf32>,
      %get3A_123 = vector.shape_cast %get3A_122 : vector<1x16xf32> to vector<16xf32>
      %get3A_124 = arith.index_cast %scan3A_34 : i32 to index
      %get3A_125 = arith.constant 32 : index
      %get3A_126 = tpu.vector_load %arg20[%get3A_124, %get3A_125] {strides = array<i32>} : memref<128x128xf32, #tpu.memory_space<vmem>>, vector<1x16xf32>,
      %get3A_127 = vector.shape_cast %get3A_126 : vector<1x16xf32> to vector<16xf32>
      %mul3A_128 = arith.mulf %get3A_123, %get3A_127 : vector<16xf32>
      %add3A_129 = arith.addf %add3A_119, %mul3A_128 : vector<16xf32>
      %swap3A_130 = arith.index_cast %scan3A_34 : i32 to index
      %swap3A_131 = arith.constant 32 : index
      %swap3A_132 = tpu.vector_load %arg15[%swap3A_130, %swap3A_131] {strides = array<i32>} : memref<128x128xf32, #tpu.memory_space<vmem>>, vector<1x16xf32>,
      %swap3A_133 = vector.shape_cast %swap3A_132 : vector<1x16xf32> to vector<16xf32>
      %swap3A_134 = vector.shape_cast %add3A_129 : vector<16xf32> to vector<1x16xf32>
      tpu.vector_store %arg15[%swap3A_130, %swap3A_131], %swap3A_134 {strides = array<i32>} : memref<128x128xf32, #tpu.memory_space<vmem>>, vector<1x16xf32>,
      %get3A_135 = arith.index_cast %scan3A_34 : i32 to index
      %get3A_136 = arith.constant 48 : index
      %get3A_137 = tpu.vector_load %arg15[%get3A_135, %get3A_136] {strides = array<i32>} : memref<128x128xf32, #tpu.memory_space<vmem>>, vector<1x16xf32>,
      %get3A_138 = vector.shape_cast %get3A_137 : vector<1x16xf32> to vector<16xf32>
      %get3A_139 = arith.index_cast %scan3A_34 : i32 to index
      %get3A_140 = arith.constant 48 : index
      %get3A_141 = tpu.vector_load %arg18[%get3A_139, %get3A_140] {strides = array<i32>} : memref<128x128xf32, #tpu.memory_space<vmem>>, vector<1x16xf32>,
      %get3A_142 = vector.shape_cast %get3A_141 : vector<1x16xf32> to vector<16xf32>
      %mul3A_143 = arith.mulf %get3A_138, %get3A_142 : vector<16xf32>
      %get3A_144 = arith.index_cast %scan3A_34 : i32 to index
      %get3A_145 = arith.constant 48 : index
      %get3A_146 = tpu.vector_load %arg16[%get3A_144, %get3A_145] {strides = array<i32>} : memref<128x128xf32, #tpu.memory_space<vmem>>, vector<1x16xf32>,
      %get3A_147 = vector.shape_cast %get3A_146 : vector<1x16xf32> to vector<16xf32>
      %get3A_148 = arith.index_cast %scan3A_34 : i32 to index
      %get3A_149 = arith.constant 48 : index
      %get3A_150 = tpu.vector_load %arg19[%get3A_148, %get3A_149] {strides = array<i32>} : memref<128x128xf32, #tpu.memory_space<vmem>>, vector<1x16xf32>,
      %get3A_151 = vector.shape_cast %get3A_150 : vector<1x16xf32> to vector<16xf32>
      %mul3A_152 = arith.mulf %get3A_147, %get3A_151 : vector<16xf32>
      %add3A_153 = arith.addf %mul3A_143, %mul3A_152 : vector<16xf32>
      %get3A_154 = arith.index_cast %scan3A_34 : i32 to index
      %get3A_155 = arith.constant 48 : index
      %get3A_156 = tpu.vector_load %arg17[%get3A_154, %get3A_155] {strides = array<i32>} : memref<128x128xf32, #tpu.memory_space<vmem>>, vector<1x16xf32>,
      %get3A_157 = vector.shape_cast %get3A_156 : vector<1x16xf32> to vector<16xf32>
      %get3A_158 = arith.index_cast %scan3A_34 : i32 to index
      %get3A_159 = arith.constant 48 : index
      %get3A_160 = tpu.vector_load %arg20[%get3A_158, %get3A_159] {strides = array<i32>} : memref<128x128xf32, #tpu.memory_space<vmem>>, vector<1x16xf32>,
      %get3A_161 = vector.shape_cast %get3A_160 : vector<1x16xf32> to vector<16xf32>
      %mul3A_162 = arith.mulf %get3A_157, %get3A_161 : vector<16xf32>
      %add3A_163 = arith.addf %add3A_153, %mul3A_162 : vector<16xf32>
      %swap3A_164 = arith.index_cast %scan3A_34 : i32 to index
      %swap3A_165 = arith.constant 48 : index
      %swap3A_166 = tpu.vector_load %arg15[%swap3A_164, %swap3A_165] {strides = array<i32>} : memref<128x128xf32, #tpu.memory_space<vmem>>, vector<1x16xf32>,
      %swap3A_167 = vector.shape_cast %swap3A_166 : vector<1x16xf32> to vector<16xf32>
      %swap3A_168 = vector.shape_cast %add3A_163 : vector<16xf32> to vector<1x16xf32>
      tpu.vector_store %arg15[%swap3A_164, %swap3A_165], %swap3A_168 {strides = array<i32>} : memref<128x128xf32, #tpu.memory_space<vmem>>, vector<1x16xf32>,
      %get3A_169 = arith.index_cast %scan3A_34 : i32 to index
      %get3A_170 = arith.constant 64 : index
      %get3A_171 = tpu.vector_load %arg15[%get3A_169, %get3A_170] {strides = array<i32>} : memref<128x128xf32, #tpu.memory_space<vmem>>, vector<1x16xf32>,
      %get3A_172 = vector.shape_cast %get3A_171 : vector<1x16xf32> to vector<16xf32>
      %get3A_173 = arith.index_cast %scan3A_34 : i32 to index
      %get3A_174 = arith.constant 64 : index
      %get3A_175 = tpu.vector_load %arg18[%get3A_173, %get3A_174] {strides = array<i32>} : memref<128x128xf32, #tpu.memory_space<vmem>>, vector<1x16xf32>,
      %get3A_176 = vector.shape_cast %get3A_175 : vector<1x16xf32> to vector<16xf32>
      %mul3A_177 = arith.mulf %get3A_172, %get3A_176 : vector<16xf32>
      %get3A_178 = arith.index_cast %scan3A_34 : i32 to index
      %get3A_179 = arith.constant 64 : index
      %get3A_180 = tpu.vector_load %arg16[%get3A_178, %get3A_179] {strides = array<i32>} : memref<128x128xf32, #tpu.memory_space<vmem>>, vector<1x16xf32>,
      %get3A_181 = vector.shape_cast %get3A_180 : vector<1x16xf32> to vector<16xf32>
      %get3A_182 = arith.index_cast %scan3A_34 : i32 to index
      %get3A_183 = arith.constant 64 : index
      %get3A_184 = tpu.vector_load %arg19[%get3A_182, %get3A_183] {strides = array<i32>} : memref<128x128xf32, #tpu.memory_space<vmem>>, vector<1x16xf32>,
      %get3A_185 = vector.shape_cast %get3A_184 : vector<1x16xf32> to vector<16xf32>
      %mul3A_186 = arith.mulf %get3A_181, %get3A_185 : vector<16xf32>
      %add3A_187 = arith.addf %mul3A_177, %mul3A_186 : vector<16xf32>
      %get3A_188 = arith.index_cast %scan3A_34 : i32 to index
      %get3A_189 = arith.constant 64 : index
      %get3A_190 = tpu.vector_load %arg17[%get3A_188, %get3A_189] {strides = array<i32>} : memref<128x128xf32, #tpu.memory_space<vmem>>, vector<1x16xf32>,
      %get3A_191 = vector.shape_cast %get3A_190 : vector<1x16xf32> to vector<16xf32>
      %get3A_192 = arith.index_cast %scan3A_34 : i32 to index
      %get3A_193 = arith.constant 64 : index
      %get3A_194 = tpu.vector_load %arg20[%get3A_192, %get3A_193] {strides = array<i32>} : memref<128x128xf32, #tpu.memory_space<vmem>>, vector<1x16xf32>,
      %get3A_195 = vector.shape_cast %get3A_194 : vector<1x16xf32> to vector<16xf32>
      %mul3A_196 = arith.mulf %get3A_191, %get3A_195 : vector<16xf32>
      %add3A_197 = arith.addf %add3A_187, %mul3A_196 : vector<16xf32>
      %swap3A_198 = arith.index_cast %scan3A_34 : i32 to index
      %swap3A_199 = arith.constant 64 : index
      %swap3A_200 = tpu.vector_load %arg15[%swap3A_198, %swap3A_199] {strides = array<i32>} : memref<128x128xf32, #tpu.memory_space<vmem>>, vector<1x16xf32>,
      %swap3A_201 = vector.shape_cast %swap3A_200 : vector<1x16xf32> to vector<16xf32>
      %swap3A_202 = vector.shape_cast %add3A_197 : vector<16xf32> to vector<1x16xf32>
      tpu.vector_store %arg15[%swap3A_198, %swap3A_199], %swap3A_202 {strides = array<i32>} : memref<128x128xf32, #tpu.memory_space<vmem>>, vector<1x16xf32>,
      %get3A_203 = arith.index_cast %scan3A_34 : i32 to index
      %get3A_204 = arith.constant 80 : index
      %get3A_205 = tpu.vector_load %arg15[%get3A_203, %get3A_204] {strides = array<i32>} : memref<128x128xf32, #tpu.memory_space<vmem>>, vector<1x16xf32>,
      %get3A_206 = vector.shape_cast %get3A_205 : vector<1x16xf32> to vector<16xf32>
      %get3A_207 = arith.index_cast %scan3A_34 : i32 to index
      %get3A_208 = arith.constant 80 : index
      %get3A_209 = tpu.vector_load %arg18[%get3A_207, %get3A_208] {strides = array<i32>} : memref<128x128xf32, #tpu.memory_space<vmem>>, vector<1x16xf32>,
      %get3A_210 = vector.shape_cast %get3A_209 : vector<1x16xf32> to vector<16xf32>
      %mul3A_211 = arith.mulf %get3A_206, %get3A_210 : vector<16xf32>
      %get3A_212 = arith.index_cast %scan3A_34 : i32 to index
      %get3A_213 = arith.constant 80 : index
      %get3A_214 = tpu.vector_load %arg16[%get3A_212, %get3A_213] {strides = array<i32>} : memref<128x128xf32, #tpu.memory_space<vmem>>, vector<1x16xf32>,
      %get3A_215 = vector.shape_cast %get3A_214 : vector<1x16xf32> to vector<16xf32>
      %get3A_216 = arith.index_cast %scan3A_34 : i32 to index
      %get3A_217 = arith.constant 80 : index
      %get3A_218 = tpu.vector_load %arg19[%get3A_216, %get3A_217] {strides = array<i32>} : memref<128x128xf32, #tpu.memory_space<vmem>>, vector<1x16xf32>,
      %get3A_219 = vector.shape_cast %get3A_218 : vector<1x16xf32> to vector<16xf32>
      %mul3A_220 = arith.mulf %get3A_215, %get3A_219 : vector<16xf32>
      %add3A_221 = arith.addf %mul3A_211, %mul3A_220 : vector<16xf32>
      %get3A_222 = arith.index_cast %scan3A_34 : i32 to index
      %get3A_223 = arith.constant 80 : index
      %get3A_224 = tpu.vector_load %arg17[%get3A_222, %get3A_223] {strides = array<i32>} : memref<128x128xf32, #tpu.memory_space<vmem>>, vector<1x16xf32>,
      %get3A_225 = vector.shape_cast %get3A_224 : vector<1x16xf32> to vector<16xf32>
      %get3A_226 = arith.index_cast %scan3A_34 : i32 to index
      %get3A_227 = arith.constant 80 : index
      %get3A_228 = tpu.vector_load %arg20[%get3A_226, %get3A_227] {strides = array<i32>} : memref<128x128xf32, #tpu.memory_space<vmem>>, vector<1x16xf32>,
      %get3A_229 = vector.shape_cast %get3A_228 : vector<1x16xf32> to vector<16xf32>
      %mul3A_230 = arith.mulf %get3A_225, %get3A_229 : vector<16xf32>
      %add3A_231 = arith.addf %add3A_221, %mul3A_230 : vector<16xf32>
      %swap3A_232 = arith.index_cast %scan3A_34 : i32 to index
      %swap3A_233 = arith.constant 80 : index
      %swap3A_234 = tpu.vector_load %arg15[%swap3A_232, %swap3A_233] {strides = array<i32>} : memref<128x128xf32, #tpu.memory_space<vmem>>, vector<1x16xf32>,
      %swap3A_235 = vector.shape_cast %swap3A_234 : vector<1x16xf32> to vector<16xf32>
      %swap3A_236 = vector.shape_cast %add3A_231 : vector<16xf32> to vector<1x16xf32>
      tpu.vector_store %arg15[%swap3A_232, %swap3A_233], %swap3A_236 {strides = array<i32>} : memref<128x128xf32, #tpu.memory_space<vmem>>, vector<1x16xf32>,
      %get3A_237 = arith.index_cast %scan3A_34 : i32 to index
      %get3A_238 = arith.constant 96 : index
      %get3A_239 = tpu.vector_load %arg15[%get3A_237, %get3A_238] {strides = array<i32>} : memref<128x128xf32, #tpu.memory_space<vmem>>, vector<1x16xf32>,
      %get3A_240 = vector.shape_cast %get3A_239 : vector<1x16xf32> to vector<16xf32>
      %get3A_241 = arith.index_cast %scan3A_34 : i32 to index
      %get3A_242 = arith.constant 96 : index
      %get3A_243 = tpu.vector_load %arg18[%get3A_241, %get3A_242] {strides = array<i32>} : memref<128x128xf32, #tpu.memory_space<vmem>>, vector<1x16xf32>,
      %get3A_244 = vector.shape_cast %get3A_243 : vector<1x16xf32> to vector<16xf32>
      %mul3A_245 = arith.mulf %get3A_240, %get3A_244 : vector<16xf32>
      %get3A_246 = arith.index_cast %scan3A_34 : i32 to index
      %get3A_247 = arith.constant 96 : index
      %get3A_248 = tpu.vector_load %arg16[%get3A_246, %get3A_247] {strides = array<i32>} : memref<128x128xf32, #tpu.memory_space<vmem>>, vector<1x16xf32>,
      %get3A_249 = vector.shape_cast %get3A_248 : vector<1x16xf32> to vector<16xf32>
      %get3A_250 = arith.index_cast %scan3A_34 : i32 to index
      %get3A_251 = arith.constant 96 : index
      %get3A_252 = tpu.vector_load %arg19[%get3A_250, %get3A_251] {strides = array<i32>} : memref<128x128xf32, #tpu.memory_space<vmem>>, vector<1x16xf32>,
      %get3A_253 = vector.shape_cast %get3A_252 : vector<1x16xf32> to vector<16xf32>
      %mul3A_254 = arith.mulf %get3A_249, %get3A_253 : vector<16xf32>
      %add3A_255 = arith.addf %mul3A_245, %mul3A_254 : vector<16xf32>
      %get3A_256 = arith.index_cast %scan3A_34 : i32 to index
      %get3A_257 = arith.constant 96 : index
      %get3A_258 = tpu.vector_load %arg17[%get3A_256, %get3A_257] {strides = array<i32>} : memref<128x128xf32, #tpu.memory_space<vmem>>, vector<1x16xf32>,
      %get3A_259 = vector.shape_cast %get3A_258 : vector<1x16xf32> to vector<16xf32>
      %get3A_260 = arith.index_cast %scan3A_34 : i32 to index
      %get3A_261 = arith.constant 96 : index
      %get3A_262 = tpu.vector_load %arg20[%get3A_260, %get3A_261] {strides = array<i32>} : memref<128x128xf32, #tpu.memory_space<vmem>>, vector<1x16xf32>,
      %get3A_263 = vector.shape_cast %get3A_262 : vector<1x16xf32> to vector<16xf32>
      %mul3A_264 = arith.mulf %get3A_259, %get3A_263 : vector<16xf32>
      %add3A_265 = arith.addf %add3A_255, %mul3A_264 : vector<16xf32>
      %swap3A_266 = arith.index_cast %scan3A_34 : i32 to index
      %swap3A_267 = arith.constant 96 : index
      %swap3A_268 = tpu.vector_load %arg15[%swap3A_266, %swap3A_267] {strides = array<i32>} : memref<128x128xf32, #tpu.memory_space<vmem>>, vector<1x16xf32>,
      %swap3A_269 = vector.shape_cast %swap3A_268 : vector<1x16xf32> to vector<16xf32>
      %swap3A_270 = vector.shape_cast %add3A_265 : vector<16xf32> to vector<1x16xf32>
      tpu.vector_store %arg15[%swap3A_266, %swap3A_267], %swap3A_270 {strides = array<i32>} : memref<128x128xf32, #tpu.memory_space<vmem>>, vector<1x16xf32>,
      %get3A_271 = arith.index_cast %scan3A_34 : i32 to index
      %get3A_272 = arith.constant 112 : index
      %get3A_273 = tpu.vector_load %arg15[%get3A_271, %get3A_272] {strides = array<i32>} : memref<128x128xf32, #tpu.memory_space<vmem>>, vector<1x16xf32>,
      %get3A_274 = vector.shape_cast %get3A_273 : vector<1x16xf32> to vector<16xf32>
      %get3A_275 = arith.index_cast %scan3A_34 : i32 to index
      %get3A_276 = arith.constant 112 : index
      %get3A_277 = tpu.vector_load %arg18[%get3A_275, %get3A_276] {strides = array<i32>} : memref<128x128xf32, #tpu.memory_space<vmem>>, vector<1x16xf32>,
      %get3A_278 = vector.shape_cast %get3A_277 : vector<1x16xf32> to vector<16xf32>
      %mul3A_279 = arith.mulf %get3A_274, %get3A_278 : vector<16xf32>
      %get3A_280 = arith.index_cast %scan3A_34 : i32 to index
      %get3A_281 = arith.constant 112 : index
      %get3A_282 = tpu.vector_load %arg16[%get3A_280, %get3A_281] {strides = array<i32>} : memref<128x128xf32, #tpu.memory_space<vmem>>, vector<1x16xf32>,
      %get3A_283 = vector.shape_cast %get3A_282 : vector<1x16xf32> to vector<16xf32>
      %get3A_284 = arith.index_cast %scan3A_34 : i32 to index
      %get3A_285 = arith.constant 112 : index
      %get3A_286 = tpu.vector_load %arg19[%get3A_284, %get3A_285] {strides = array<i32>} : memref<128x128xf32, #tpu.memory_space<vmem>>, vector<1x16xf32>,
      %get3A_287 = vector.shape_cast %get3A_286 : vector<1x16xf32> to vector<16xf32>
      %mul3A_288 = arith.mulf %get3A_283, %get3A_287 : vector<16xf32>
      %add3A_289 = arith.addf %mul3A_279, %mul3A_288 : vector<16xf32>
      %get3A_290 = arith.index_cast %scan3A_34 : i32 to index
      %get3A_291 = arith.constant 112 : index
      %get3A_292 = tpu.vector_load %arg17[%get3A_290, %get3A_291] {strides = array<i32>} : memref<128x128xf32, #tpu.memory_space<vmem>>, vector<1x16xf32>,
      %get3A_293 = vector.shape_cast %get3A_292 : vector<1x16xf32> to vector<16xf32>
      %get3A_294 = arith.index_cast %scan3A_34 : i32 to index
      %get3A_295 = arith.constant 112 : index
      %get3A_296 = tpu.vector_load %arg20[%get3A_294, %get3A_295] {strides = array<i32>} : memref<128x128xf32, #tpu.memory_space<vmem>>, vector<1x16xf32>,
      %get3A_297 = vector.shape_cast %get3A_296 : vector<1x16xf32> to vector<16xf32>
      %mul3A_298 = arith.mulf %get3A_293, %get3A_297 : vector<16xf32>
      %add3A_299 = arith.addf %add3A_289, %mul3A_298 : vector<16xf32>
      %swap3A_300 = arith.index_cast %scan3A_34 : i32 to index
      %swap3A_301 = arith.constant 112 : index
      %swap3A_302 = tpu.vector_load %arg15[%swap3A_300, %swap3A_301] {strides = array<i32>} : memref<128x128xf32, #tpu.memory_space<vmem>>, vector<1x16xf32>,
      %swap3A_303 = vector.shape_cast %swap3A_302 : vector<1x16xf32> to vector<16xf32>
      %swap3A_304 = vector.shape_cast %add3A_299 : vector<16xf32> to vector<1x16xf32>
      tpu.vector_store %arg15[%swap3A_300, %swap3A_301], %swap3A_304 {strides = array<i32>} : memref<128x128xf32, #tpu.memory_space<vmem>>, vector<1x16xf32>,
    }
    %scan3A_27 = arith.constant 128 : i32
    %dma_start3A_28 = arith.constant 0 : i32
    %dma_start3A_29 = arith.constant 0 : i32
    %dma_start3A_30 = tpu.memref_slice %arg2[%dma_start3A_28, %dma_start3A_29] : memref<50000x128xf32, #tpu.memory_space<hbm>> -> memref<50000x128xf32, #tpu.memory_space<hbm>>
    tpu.enqueue_indirect_dma source(%arg15 : memref<128x128xf32, #tpu.memory_space<vmem>>) target(%dma_start3A_30 : memref<50000x128xf32, #tpu.memory_space<hbm>>) offsets(%arg12 : memref<128xi32, #tpu.memory_space<vmem>>) semaphore(%arg21 : memref<!tpu.dma_semaphore, #tpu.memory_space<semaphore_mem>>)
    %dma_wait3A_31 = arith.constant 0 : i32
    %dma_wait3A_32 = arith.constant 0 : i32
    %dma_wait3A_33 = tpu.memref_slice %arg2[%dma_wait3A_31, %dma_wait3A_32] : memref<50000x128xf32, #tpu.memory_space<hbm>> -> memref<50000x128xf32, #tpu.memory_space<hbm>>
    tpu.wait_indirect_dma semaphore(%arg21 : memref<!tpu.dma_semaphore, #tpu.memory_space<semaphore_mem>>) src(%arg15 : memref<128x128xf32, #tpu.memory_space<vmem>>) dst(%dma_wait3A_33 : memref<50000x128xf32, #tpu.memory_space<hbm>>)
    return
  }
}

module attributes {stable_mosaic.version = 14 : i64} {
  func.func @_jlast_body(%arg0: i32, %arg1: memref<512x1xi32, #tpu.memory_space<vmem>>, %arg2: memref<1x4096xi32, #tpu.memory_space<vmem>>, %arg3: memref<512x1xi32, #tpu.memory_space<vmem>>, %arg4: memref<512x1xi32, #tpu.memory_space<vmem>>, %arg5: memref<512x128xf32, #tpu.memory_space<vmem>>, %arg6: memref<512x128xf32, #tpu.memory_space<vmem>>, %arg7: memref<512x128xf32, #tpu.memory_space<vmem>>) attributes {dimension_semantics = [#tpu.dimension_semantics<arbitrary>], iteration_bounds = array<i64: 8>, scalar_prefetch = 0 : i64, scratch_operands = 0 : i64, tpu.core_type = #tpu.core_type<tc>, window_params = [{transform_indices = @transform_0, window_bounds = array<i64: 512, 1>}, {pipeline_mode = #tpu.pipeline_mode<synchronous>, transform_indices = @transform_1, window_bounds = array<i64: 1, 4096>}, {transform_indices = @transform_2, window_bounds = array<i64: 512, 1>}, {transform_indices = @transform_3, window_bounds = array<i64: 512, 1>}, {transform_indices = @transform_4, window_bounds = array<i64: 512, 128>}, {transform_indices = @transform_5, window_bounds = array<i64: 512, 128>}, {transform_indices = @transform_6, window_bounds = array<i64: 512, 128>}]} {
    %get3A = arith.constant 0 : index
    %get3A_0 = arith.constant 0 : index
    %get3A_1 = vector.load %arg1[%get3A, %get3A_0] : memref<512x1xi32, #tpu.memory_space<vmem>>, vector<512x1xi32>
    %get3A_2 = arith.constant 0 : index
    %get3A_3 = arith.constant 0 : index
    %get3A_4 = vector.load %arg2[%get3A_2, %get3A_3] : memref<1x4096xi32, #tpu.memory_space<vmem>>, vector<1x4096xi32>
    %eq3A = vector.broadcast %get3A_1 : vector<512x1xi32> to vector<512x4096xi32>
    %eq3A_5 = vector.broadcast %get3A_4 : vector<1x4096xi32> to vector<512x4096xi32>
    %eq3A_6 = arith.cmpi eq, %eq3A, %eq3A_5 : vector<512x4096xi32>
    %iota3A = tpu.iota {dimensions = array<i32: 1>} : vector<512x4096xi32>
    %jit3A = arith.constant -1 : i32
    %broadcast_in_dim3A = vector.broadcast %jit3A : i32 to vector<512x4096xi32>
    %select_n3A = arith.select %eq3A_6, %iota3A, %broadcast_in_dim3A : vector<512x4096xi1>, vector<512x4096xi32>
    %reduce_max3A = arith.constant dense<-2147483648> : vector<512xi32>
    %reduce_max3A_7 = vector.multi_reduction <maxsi>, %select_n3A, %reduce_max3A [1] : vector<512x4096xi32> to vector<512xi32>
    %broadcast_in_dim3A_8 = vector.shape_cast %reduce_max3A_7 : vector<512xi32> to vector<512x1xi32>
    %swap3A = arith.constant 0 : index
    %swap3A_9 = arith.constant 0 : index
    %swap3A_10 = vector.load %arg3[%swap3A, %swap3A_9] : memref<512x1xi32, #tpu.memory_space<vmem>>, vector<512x1xi32>
    tpu.vector_store %arg3[%swap3A, %swap3A_9], %broadcast_in_dim3A_8 {strides = array<i32>} : memref<512x1xi32, #tpu.memory_space<vmem>>, vector<512x1xi32>,
    %xor3A = arith.constant 1 : i32
    %xor3A_11 = vector.broadcast %xor3A : i32 to vector<512x1xi32>
    %xor3A_12 = arith.xori %get3A_1, %xor3A_11 : vector<512x1xi32>
    %get3A_13 = arith.constant 0 : index
    %get3A_14 = arith.constant 0 : index
    %get3A_15 = vector.load %arg2[%get3A_13, %get3A_14] : memref<1x4096xi32, #tpu.memory_space<vmem>>, vector<1x4096xi32>
    %eq3A_16 = vector.broadcast %xor3A_12 : vector<512x1xi32> to vector<512x4096xi32>
    %eq3A_17 = vector.broadcast %get3A_15 : vector<1x4096xi32> to vector<512x4096xi32>
    %eq3A_18 = arith.cmpi eq, %eq3A_16, %eq3A_17 : vector<512x4096xi32>
    %jit3A_19 = arith.constant -1 : i32
    %broadcast_in_dim3A_20 = vector.broadcast %jit3A_19 : i32 to vector<512x4096xi32>
    %select_n3A_21 = arith.select %eq3A_18, %iota3A, %broadcast_in_dim3A_20 : vector<512x4096xi1>, vector<512x4096xi32>
    %reduce_max3A_22 = arith.constant dense<-2147483648> : vector<512xi32>
    %reduce_max3A_23 = vector.multi_reduction <maxsi>, %select_n3A_21, %reduce_max3A_22 [1] : vector<512x4096xi32> to vector<512xi32>
    %broadcast_in_dim3A_24 = vector.shape_cast %reduce_max3A_23 : vector<512xi32> to vector<512x1xi32>
    %ge3A = arith.constant 0 : i32
    %ge3A_25 = vector.broadcast %ge3A : i32 to vector<512x1xi32>
    %ge3A_26 = arith.cmpi sge, %broadcast_in_dim3A_24, %ge3A_25 : vector<512x1xi32>
    %max3A = arith.constant 0 : i32
    %max3A_27 = vector.broadcast %max3A : i32 to vector<512x1xi32>
    %max3A_28 = arith.maxsi %broadcast_in_dim3A_24, %max3A_27 : vector<512x1xi32>
    %swap3A_29 = arith.constant 0 : index
    %swap3A_30 = arith.constant 0 : index
    %swap3A_31 = vector.load %arg4[%swap3A_29, %swap3A_30] : memref<512x1xi32, #tpu.memory_space<vmem>>, vector<512x1xi32>
    tpu.vector_store %arg4[%swap3A_29, %swap3A_30], %max3A_28 {strides = array<i32>} : memref<512x1xi32, #tpu.memory_space<vmem>>, vector<512x1xi32>,
    %iota3A_32 = tpu.iota {dimensions = array<i32: 1>} : vector<512x128xi32>
    %ge3A_33 = arith.constant 64 : i32
    %ge3A_34 = vector.broadcast %ge3A_33 : i32 to vector<512x128xi32>
    %ge3A_35 = arith.cmpi sge, %iota3A_32, %ge3A_34 : vector<512x128xi32>
    %and3A = arith.constant 1 : i32
    %and3A_36 = vector.broadcast %and3A : i32 to vector<512x1xi32>
    %and3A_37 = arith.andi %get3A_1, %and3A_36 : vector<512x1xi32>
    %eq3A_38 = arith.constant 1 : i32
    %eq3A_39 = vector.broadcast %eq3A_38 : i32 to vector<512x1xi32>
    %eq3A_40 = arith.cmpi eq, %and3A_37, %eq3A_39 : vector<512x1xi32>
    %eq3A_41 = vector.broadcast %eq3A_40 : vector<512x1xi1> to vector<512x128xi1>
    %eq3A_42 = vector.broadcast %eq3A_41 : vector<512x128xi1> to vector<512x128xi1>
    %eq3A_43 = arith.xori %ge3A_35, %eq3A_42 : vector<512x128xi1>
    %eq3A_44 = arith.constant dense<true> : vector<512x128xi1>
    %eq3A_45 = arith.xori %eq3A_43, %eq3A_44 : vector<512x128xi1>
    %or3A = vector.broadcast %ge3A_26 : vector<512x1xi1> to vector<512x128xi1>
    %or3A_46 = arith.ori %eq3A_45, %or3A : vector<512x128xi1>
    %jit3A_47 = arith.constant 0.699999988 : f32
    %jit3A_48 = arith.constant 1.000000e+00 : f32
    %broadcast_in_dim3A_49 = vector.broadcast %jit3A_47 : f32 to vector<512x128xf32>
    %broadcast_in_dim3A_50 = vector.broadcast %jit3A_48 : f32 to vector<512x128xf32>
    %select_n3A_51 = arith.select %or3A_46, %broadcast_in_dim3A_49, %broadcast_in_dim3A_50 : vector<512x128xi1>, vector<512x128xf32>
    %swap3A_52 = arith.constant 0 : index
    %swap3A_53 = arith.constant 0 : index
    %swap3A_54 = vector.load %arg5[%swap3A_52, %swap3A_53] : memref<512x128xf32, #tpu.memory_space<vmem>>, vector<512x128xf32>
    tpu.vector_store %arg5[%swap3A_52, %swap3A_53], %select_n3A_51 {strides = array<i32>} : memref<512x128xf32, #tpu.memory_space<vmem>>, vector<512x128xf32>,
    %jit3A_55 = arith.constant 3.000000e-01 : f32
    %jit3A_56 = arith.constant 0.000000e+00 : f32
    %broadcast_in_dim3A_57 = vector.broadcast %jit3A_55 : f32 to vector<512x128xf32>
    %broadcast_in_dim3A_58 = vector.broadcast %jit3A_56 : f32 to vector<512x128xf32>
    %select_n3A_59 = arith.select %eq3A_45, %broadcast_in_dim3A_57, %broadcast_in_dim3A_58 : vector<512x128xi1>, vector<512x128xf32>
    %swap3A_60 = arith.constant 0 : index
    %swap3A_61 = arith.constant 0 : index
    %swap3A_62 = vector.load %arg6[%swap3A_60, %swap3A_61] : memref<512x128xf32, #tpu.memory_space<vmem>>, vector<512x128xf32>
    tpu.vector_store %arg6[%swap3A_60, %swap3A_61], %select_n3A_59 {strides = array<i32>} : memref<512x128xf32, #tpu.memory_space<vmem>>, vector<512x128xf32>,
    %not3A = arith.constant dense<true> : vector<512x128xi1>
    %not3A_63 = arith.xori %eq3A_45, %not3A : vector<512x128xi1>
    %and3A_64 = vector.broadcast %ge3A_26 : vector<512x1xi1> to vector<512x128xi1>
    %and3A_65 = arith.andi %not3A_63, %and3A_64 : vector<512x128xi1>
    %jit3A_66 = arith.constant 3.000000e-01 : f32
    %jit3A_67 = arith.constant 0.000000e+00 : f32
    %broadcast_in_dim3A_68 = vector.broadcast %jit3A_66 : f32 to vector<512x128xf32>
    %broadcast_in_dim3A_69 = vector.broadcast %jit3A_67 : f32 to vector<512x128xf32>
    %select_n3A_70 = arith.select %and3A_65, %broadcast_in_dim3A_68, %broadcast_in_dim3A_69 : vector<512x128xi1>, vector<512x128xf32>
    %swap3A_71 = arith.constant 0 : index
    %swap3A_72 = arith.constant 0 : index
    %swap3A_73 = vector.load %arg7[%swap3A_71, %swap3A_72] : memref<512x128xf32, #tpu.memory_space<vmem>>, vector<512x128xf32>
    tpu.vector_store %arg7[%swap3A_71, %swap3A_72], %select_n3A_70 {strides = array<i32>} : memref<512x128xf32, #tpu.memory_space<vmem>>, vector<512x128xf32>,
    return
  }
  func.func @transform_0(%arg0: i32) -> (i32, i32) {
    %c0_i32 = arith.constant 0 : i32
    %c0_i32_0 = arith.constant 0 : i32
    return %arg0, %c0_i32 : i32, i32
  }
  func.func @transform_1(%arg0: i32) -> (i32, i32) {
    %c0_i32 = arith.constant 0 : i32
    %c0_i32_0 = arith.constant 0 : i32
    %c0_i32_1 = arith.constant 0 : i32
    return %c0_i32, %c0_i32_0 : i32, i32
  }
  func.func @transform_2(%arg0: i32) -> (i32, i32) {
    %c0_i32 = arith.constant 0 : i32
    %c0_i32_0 = arith.constant 0 : i32
    return %arg0, %c0_i32 : i32, i32
  }
  func.func @transform_3(%arg0: i32) -> (i32, i32) {
    %c0_i32 = arith.constant 0 : i32
    %c0_i32_0 = arith.constant 0 : i32
    return %arg0, %c0_i32 : i32, i32
  }
  func.func @transform_4(%arg0: i32) -> (i32, i32) {
    %c0_i32 = arith.constant 0 : i32
    %c0_i32_0 = arith.constant 0 : i32
    return %arg0, %c0_i32 : i32, i32
  }
  func.func @transform_5(%arg0: i32) -> (i32, i32) {
    %c0_i32 = arith.constant 0 : i32
    %c0_i32_0 = arith.constant 0 : i32
    return %arg0, %c0_i32 : i32, i32
  }
  func.func @transform_6(%arg0: i32) -> (i32, i32) {
    %c0_i32 = arith.constant 0 : i32
    %c0_i32_0 = arith.constant 0 : i32
    return %arg0, %c0_i32 : i32, i32
  }
}

module attributes {stable_mosaic.version = 14 : i64} {
  func.func @_mlp_body(%arg0: i32, %arg1: memref<512x64xf32, #tpu.memory_space<vmem>>, %arg2: memref<512x64xf32, #tpu.memory_space<vmem>>, %arg3: memref<512x16xf32, #tpu.memory_space<vmem>>, %arg4: memref<144x64xf32, #tpu.memory_space<vmem>>, %arg5: memref<1x64xf32, #tpu.memory_space<vmem>>, %arg6: memref<64x64xf32, #tpu.memory_space<vmem>>, %arg7: memref<1x64xf32, #tpu.memory_space<vmem>>, %arg8: memref<512x128xf32, #tpu.memory_space<vmem>>) attributes {dimension_semantics = [#tpu.dimension_semantics<arbitrary>], iteration_bounds = array<i64: 8>, scalar_prefetch = 0 : i64, scratch_operands = 0 : i64, tpu.core_type = #tpu.core_type<tc>, window_params = [{transform_indices = @transform_0, window_bounds = array<i64: 512, 64>}, {transform_indices = @transform_1, window_bounds = array<i64: 512, 64>}, {transform_indices = @transform_2, window_bounds = array<i64: 512, 16>}, {pipeline_mode = #tpu.pipeline_mode<synchronous>, transform_indices = @transform_3, window_bounds = array<i64: 144, 64>}, {pipeline_mode = #tpu.pipeline_mode<synchronous>, transform_indices = @transform_4, window_bounds = array<i64: 1, 64>}, {pipeline_mode = #tpu.pipeline_mode<synchronous>, transform_indices = @transform_5, window_bounds = array<i64: 64, 64>}, {pipeline_mode = #tpu.pipeline_mode<synchronous>, transform_indices = @transform_6, window_bounds = array<i64: 1, 64>}, {transform_indices = @transform_7, window_bounds = array<i64: 512, 128>}]} {
    %get3A = arith.constant 0 : index
    %get3A_0 = arith.constant 0 : index
    %get3A_1 = vector.load %arg1[%get3A, %get3A_0] : memref<512x64xf32, #tpu.memory_space<vmem>>, vector<512x64xf32>
    %get3A_2 = arith.constant 0 : index
    %get3A_3 = arith.constant 0 : index
    %get3A_4 = vector.load %arg2[%get3A_2, %get3A_3] : memref<512x64xf32, #tpu.memory_space<vmem>>, vector<512x64xf32>
    %get3A_5 = arith.constant 0 : index
    %get3A_6 = arith.constant 0 : index
    %get3A_7 = vector.load %arg3[%get3A_5, %get3A_6] : memref<512x16xf32, #tpu.memory_space<vmem>>, vector<512x16xf32>
    %concatenate3A = tpu.concatenate %get3A_1, %get3A_4, %get3A_7 in 1 : vector<512x64xf32>, vector<512x64xf32>, vector<512x16xf32> -> vector<512x144xf32>
    %get3A_8 = arith.constant 0 : index
    %get3A_9 = arith.constant 0 : index
    %get3A_10 = vector.load %arg4[%get3A_8, %get3A_9] : memref<144x64xf32, #tpu.memory_space<vmem>>, vector<144x64xf32>
    %dot_general3A = arith.constant dense<0.000000e+00> : vector<512x64xf32>
    %dot_general3A_11 = tpu.matmul %concatenate3A, %get3A_10, %dot_general3A {dimension_numbers = #tpu.dot_dimension_numbers<[1], [0], [0], [1], [0, 0, 1, 1], [], []>, transpose_lhs_hint = false} : vector<512x144xf32>, vector<144x64xf32>, vector<512x64xf32> -> vector<512x64xf32>
    %get3A_12 = arith.constant 0 : index
    %get3A_13 = arith.constant 0 : index
    %get3A_14 = vector.load %arg5[%get3A_12, %get3A_13] : memref<1x64xf32, #tpu.memory_space<vmem>>, vector<1x64xf32>
    %add3A = vector.broadcast %get3A_14 : vector<1x64xf32> to vector<512x64xf32>
    %add3A_15 = arith.addf %dot_general3A_11, %add3A : vector<512x64xf32>
    %mul3A = arith.constant 5.000000e-01 : f32
    %mul3A_16 = vector.broadcast %mul3A : f32 to vector<512x64xf32>
    %mul3A_17 = arith.mulf %mul3A_16, %add3A_15 : vector<512x64xf32>
    %mul3A_18 = arith.constant -0.707106769 : f32
    %mul3A_19 = vector.broadcast %mul3A_18 : f32 to vector<512x64xf32>
    %mul3A_20 = arith.mulf %add3A_15, %mul3A_19 : vector<512x64xf32>
    %erf3A = math.erf %mul3A_20 : vector<512x64xf32>
    %sub3A = arith.constant 1.000000e+00 : f32
    %sub3A_21 = vector.broadcast %sub3A : f32 to vector<512x64xf32>
    %sub3A_22 = arith.subf %sub3A_21, %erf3A : vector<512x64xf32>
    %mul3A_23 = arith.mulf %mul3A_17, %sub3A_22 : vector<512x64xf32>
    %get3A_24 = arith.constant 0 : index
    %get3A_25 = arith.constant 0 : index
    %get3A_26 = vector.load %arg6[%get3A_24, %get3A_25] : memref<64x64xf32, #tpu.memory_space<vmem>>, vector<64x64xf32>
    %dot_general3A_27 = arith.constant dense<0.000000e+00> : vector<512x64xf32>
    %dot_general3A_28 = tpu.matmul %mul3A_23, %get3A_26, %dot_general3A_27 {dimension_numbers = #tpu.dot_dimension_numbers<[1], [0], [0], [1], [0, 0, 1, 1], [], []>, transpose_lhs_hint = false} : vector<512x64xf32>, vector<64x64xf32>, vector<512x64xf32> -> vector<512x64xf32>
    %get3A_29 = arith.constant 0 : index
    %get3A_30 = arith.constant 0 : index
    %get3A_31 = vector.load %arg7[%get3A_29, %get3A_30] : memref<1x64xf32, #tpu.memory_space<vmem>>, vector<1x64xf32>
    %add3A_32 = vector.broadcast %get3A_31 : vector<1x64xf32> to vector<512x64xf32>
    %add3A_33 = arith.addf %dot_general3A_28, %add3A_32 : vector<512x64xf32>
    %concatenate3A_34 = tpu.concatenate %add3A_33, %add3A_33 in 1 : vector<512x64xf32>, vector<512x64xf32> -> vector<512x128xf32>
    %swap3A = arith.constant 0 : index
    %swap3A_35 = arith.constant 0 : index
    %swap3A_36 = vector.load %arg8[%swap3A, %swap3A_35] : memref<512x128xf32, #tpu.memory_space<vmem>>, vector<512x128xf32>
    tpu.vector_store %arg8[%swap3A, %swap3A_35], %concatenate3A_34 {strides = array<i32>} : memref<512x128xf32, #tpu.memory_space<vmem>>, vector<512x128xf32>,
    return
  }
  func.func @transform_0(%arg0: i32) -> (i32, i32) {
    %c0_i32 = arith.constant 0 : i32
    %c0_i32_0 = arith.constant 0 : i32
    return %arg0, %c0_i32 : i32, i32
  }
  func.func @transform_1(%arg0: i32) -> (i32, i32) {
    %c0_i32 = arith.constant 0 : i32
    %c0_i32_0 = arith.constant 0 : i32
    return %arg0, %c0_i32 : i32, i32
  }
  func.func @transform_2(%arg0: i32) -> (i32, i32) {
    %c0_i32 = arith.constant 0 : i32
    %c0_i32_0 = arith.constant 0 : i32
    return %arg0, %c0_i32 : i32, i32
  }
  func.func @transform_3(%arg0: i32) -> (i32, i32) {
    %c0_i32 = arith.constant 0 : i32
    %c0_i32_0 = arith.constant 0 : i32
    %c0_i32_1 = arith.constant 0 : i32
    return %c0_i32, %c0_i32_0 : i32, i32
  }
  func.func @transform_4(%arg0: i32) -> (i32, i32) {
    %c0_i32 = arith.constant 0 : i32
    %c0_i32_0 = arith.constant 0 : i32
    %c0_i32_1 = arith.constant 0 : i32
    return %c0_i32, %c0_i32_0 : i32, i32
  }
  func.func @transform_5(%arg0: i32) -> (i32, i32) {
    %c0_i32 = arith.constant 0 : i32
    %c0_i32_0 = arith.constant 0 : i32
    %c0_i32_1 = arith.constant 0 : i32
    return %c0_i32, %c0_i32_0 : i32, i32
  }
  func.func @transform_6(%arg0: i32) -> (i32, i32) {
    %c0_i32 = arith.constant 0 : i32
    %c0_i32_0 = arith.constant 0 : i32
    %c0_i32_1 = arith.constant 0 : i32
    return %c0_i32, %c0_i32_0 : i32, i32
  }
  func.func @transform_7(%arg0: i32) -> (i32, i32) {
    %c0_i32 = arith.constant 0 : i32
    %c0_i32_0 = arith.constant 0 : i32
    return %arg0, %c0_i32 : i32, i32
  }
}

module attributes {stable_mosaic.version = 14 : i64} {
  func.func @_attn_body(%arg0: i32, %arg1: i32, %arg2: i32, %arg3: memref<256x64xf32, #tpu.memory_space<vmem>>, %arg4: memref<4000x64xf32, #tpu.memory_space<vmem>>, %arg5: memref<4000x64xf32, #tpu.memory_space<vmem>>, %arg6: memref<4000x16xf32, #tpu.memory_space<vmem>>, %arg7: memref<1x1x4000xf32, #tpu.memory_space<vmem>>, %arg8: memref<80x64xf32, #tpu.memory_space<vmem>>, %arg9: memref<1x64xf32, #tpu.memory_space<vmem>>, %arg10: memref<64x16xf32, #tpu.memory_space<vmem>>, %arg11: memref<1x16xf32, #tpu.memory_space<vmem>>, %arg12: memref<256x64xf32, #tpu.memory_space<vmem>>, %arg13: memref<256x16xf32, #tpu.memory_space<vmem>>, %arg14: memref<256x64xf32, #tpu.memory_space<vmem>>, %arg15: memref<256x1xf32, #tpu.memory_space<vmem>>, %arg16: memref<256x1xf32, #tpu.memory_space<vmem>>, %arg17: memref<256x1xf32, #tpu.memory_space<vmem>>, %arg18: memref<256x64xf32, #tpu.memory_space<vmem>>, %arg19: memref<256x16xf32, #tpu.memory_space<vmem>>) attributes {dimension_semantics = [#tpu.dimension_semantics<parallel>, #tpu.dimension_semantics<arbitrary>, #tpu.dimension_semantics<arbitrary>], iteration_bounds = array<i64: 4, 2, 25>, scalar_prefetch = 0 : i64, scratch_operands = 6 : i64, tpu.core_type = #tpu.core_type<tc>, window_params = [{transform_indices = @transform_0, window_bounds = array<i64: 256, 64>}, {transform_indices = @transform_1, window_bounds = array<i64: 4000, 64>}, {transform_indices = @transform_2, window_bounds = array<i64: 4000, 64>}, {transform_indices = @transform_3, window_bounds = array<i64: 4000, 16>}, {transform_indices = @transform_4, window_bounds = array<i64: 1, 1, 4000>}, {pipeline_mode = #tpu.pipeline_mode<synchronous>, transform_indices = @transform_5, window_bounds = array<i64: 80, 64>}, {pipeline_mode = #tpu.pipeline_mode<synchronous>, transform_indices = @transform_6, window_bounds = array<i64: 1, 64>}, {pipeline_mode = #tpu.pipeline_mode<synchronous>, transform_indices = @transform_7, window_bounds = array<i64: 64, 16>}, {pipeline_mode = #tpu.pipeline_mode<synchronous>, transform_indices = @transform_8, window_bounds = array<i64: 1, 16>}, {transform_indices = @transform_9, window_bounds = array<i64: 256, 64>}, {transform_indices = @transform_10, window_bounds = array<i64: 256, 16>}]} {
    %eq3A = arith.constant 0 : i32
    %eq3A_0 = arith.cmpi eq, %arg1, %eq3A : i32
    %eq3A_1 = arith.constant 0 : i32
    %eq3A_2 = arith.cmpi eq, %arg2, %eq3A_1 : i32
    %and3A = arith.andi %eq3A_0, %eq3A_2 : i1
    %convert_element_type3A = arith.extui %and3A : i1 to i32
    %cond3A = arith.constant 0 : i32
    %cond3A_3 = arith.cmpi ne, %convert_element_type3A, %cond3A : i32
    scf.if %cond3A_3 {
      %get3A_48 = arith.constant 0 : index
      %get3A_49 = arith.constant 0 : index
      %get3A_50 = vector.load %arg3[%get3A_48, %get3A_49] : memref<256x64xf32, #tpu.memory_space<vmem>>, vector<256x64xf32>
      %mul3A_51 = arith.mulf %get3A_50, %get3A_50 : vector<256x64xf32>
      %reduce_sum3A_52 = arith.constant dense<0.000000e+00> : vector<256xf32>
      %reduce_sum3A_53 = vector.multi_reduction <add>, %mul3A_51, %reduce_sum3A_52 [1] : vector<256x64xf32> to vector<256xf32>
      %broadcast_in_dim3A_54 = vector.shape_cast %reduce_sum3A_53 : vector<256xf32> to vector<256x1xf32>
      %sqrt3A_55 = math.sqrt %broadcast_in_dim3A_54 : vector<256x1xf32>
      %add3A_56 = arith.constant 9.99999996E-13 : f32
      %add3A_57 = vector.broadcast %add3A_56 : f32 to vector<256x1xf32>
      %add3A_58 = arith.addf %sqrt3A_55, %add3A_57 : vector<256x1xf32>
      %div3A_59 = vector.broadcast %add3A_58 : vector<256x1xf32> to vector<256x64xf32>
      %div3A_60 = arith.divf %get3A_50, %div3A_59 : vector<256x64xf32>
      %swap3A = arith.constant 0 : index
      %swap3A_61 = arith.constant 0 : index
      %swap3A_62 = vector.load %arg14[%swap3A, %swap3A_61] : memref<256x64xf32, #tpu.memory_space<vmem>>, vector<256x64xf32>
      tpu.vector_store %arg14[%swap3A, %swap3A_61], %div3A_60 {strides = array<i32>} : memref<256x64xf32, #tpu.memory_space<vmem>>, vector<256x64xf32>,
      %broadcast_in_dim3A_63 = arith.constant 0xFF800000 : f32
      %broadcast_in_dim3A_64 = vector.broadcast %broadcast_in_dim3A_63 : f32 to vector<256x1xf32>
      %swap3A_65 = arith.constant 0 : index
      %swap3A_66 = arith.constant 0 : index
      %swap3A_67 = vector.load %arg15[%swap3A_65, %swap3A_66] : memref<256x1xf32, #tpu.memory_space<vmem>>, vector<256x1xf32>
      tpu.vector_store %arg15[%swap3A_65, %swap3A_66], %broadcast_in_dim3A_64 {strides = array<i32>} : memref<256x1xf32, #tpu.memory_space<vmem>>, vector<256x1xf32>,
      %broadcast_in_dim3A_68 = arith.constant 0.000000e+00 : f32
      %broadcast_in_dim3A_69 = vector.broadcast %broadcast_in_dim3A_68 : f32 to vector<256x1xf32>
      %swap3A_70 = arith.constant 0 : index
      %swap3A_71 = arith.constant 0 : index
      %swap3A_72 = vector.load %arg16[%swap3A_70, %swap3A_71] : memref<256x1xf32, #tpu.memory_space<vmem>>, vector<256x1xf32>
      tpu.vector_store %arg16[%swap3A_70, %swap3A_71], %broadcast_in_dim3A_69 {strides = array<i32>} : memref<256x1xf32, #tpu.memory_space<vmem>>, vector<256x1xf32>,
      %broadcast_in_dim3A_73 = arith.constant 0.000000e+00 : f32
      %broadcast_in_dim3A_74 = vector.broadcast %broadcast_in_dim3A_73 : f32 to vector<256x64xf32>
      %swap3A_75 = arith.constant 0 : index
      %swap3A_76 = arith.constant 0 : index
      %swap3A_77 = vector.load %arg18[%swap3A_75, %swap3A_76] : memref<256x64xf32, #tpu.memory_space<vmem>>, vector<256x64xf32>
      tpu.vector_store %arg18[%swap3A_75, %swap3A_76], %broadcast_in_dim3A_74 {strides = array<i32>} : memref<256x64xf32, #tpu.memory_space<vmem>>, vector<256x64xf32>,
      %broadcast_in_dim3A_78 = arith.constant 0.000000e+00 : f32
      %broadcast_in_dim3A_79 = vector.broadcast %broadcast_in_dim3A_78 : f32 to vector<256x16xf32>
      %swap3A_80 = arith.constant 0 : index
      %swap3A_81 = arith.constant 0 : index
      %swap3A_82 = vector.load %arg19[%swap3A_80, %swap3A_81] : memref<256x16xf32, #tpu.memory_space<vmem>>, vector<256x16xf32>
      tpu.vector_store %arg19[%swap3A_80, %swap3A_81], %broadcast_in_dim3A_79 {strides = array<i32>} : memref<256x16xf32, #tpu.memory_space<vmem>>, vector<256x16xf32>,
    } else {
    }
    %get3A = arith.constant 0 : index
    %get3A_4 = arith.constant 0 : index
    %get3A_5 = vector.load %arg4[%get3A, %get3A_4] : memref<4000x64xf32, #tpu.memory_space<vmem>>, vector<4000x64xf32>
    %mul3A = arith.mulf %get3A_5, %get3A_5 : vector<4000x64xf32>
    %reduce_sum3A = arith.constant dense<0.000000e+00> : vector<4000xf32>
    %reduce_sum3A_6 = vector.multi_reduction <add>, %mul3A, %reduce_sum3A [1] : vector<4000x64xf32> to vector<4000xf32>
    %broadcast_in_dim3A = vector.shape_cast %reduce_sum3A_6 : vector<4000xf32> to vector<4000x1xf32>
    %sqrt3A = math.sqrt %broadcast_in_dim3A : vector<4000x1xf32>
    %add3A = arith.constant 9.99999996E-13 : f32
    %add3A_7 = vector.broadcast %add3A : f32 to vector<4000x1xf32>
    %add3A_8 = arith.addf %sqrt3A, %add3A_7 : vector<4000x1xf32>
    %div3A = vector.broadcast %add3A_8 : vector<4000x1xf32> to vector<4000x64xf32>
    %div3A_9 = arith.divf %get3A_5, %div3A : vector<4000x64xf32>
    %get3A_10 = arith.constant 0 : index
    %get3A_11 = arith.constant 0 : index
    %get3A_12 = vector.load %arg14[%get3A_10, %get3A_11] : memref<256x64xf32, #tpu.memory_space<vmem>>, vector<256x64xf32>
    %dot_general3A = arith.constant dense<0.000000e+00> : vector<256x4000xf32>
    %dot_general3A_13 = tpu.matmul %get3A_12, %div3A_9, %dot_general3A {dimension_numbers = #tpu.dot_dimension_numbers<[1], [1], [0], [0], [0, 0, 1, 0], [], []>, transpose_lhs_hint = false} : vector<256x64xf32>, vector<4000x64xf32>, vector<256x4000xf32> -> vector<256x4000xf32>
    %get3A_14 = arith.constant 0 : index
    %get3A_15 = arith.constant 0 : index
    %get3A_16 = arith.constant 0 : index
    %get3A_17 = vector.load %arg7[%get3A_14, %get3A_15, %get3A_16] : memref<1x1x4000xf32, #tpu.memory_space<vmem>>, vector<1x1x4000xf32>
    %get3A_18 = vector.shape_cast %get3A_17 : vector<1x1x4000xf32> to vector<1x4000xf32>
    %mul3A_19 = arith.constant 0.949999988 : f32
    %mul3A_20 = vector.broadcast %mul3A_19 : f32 to vector<1x4000xf32>
    %mul3A_21 = arith.mulf %get3A_18, %mul3A_20 : vector<1x4000xf32>
    %gt3A = arith.constant 5.000000e-02 : f32
    %gt3A_22 = vector.broadcast %gt3A : f32 to vector<1x4000xf32>
    %gt3A_23 = arith.cmpf ogt, %mul3A_21, %gt3A_22 : vector<1x4000xf32>
    %mul3A_24 = arith.constant 5.000000e+00 : f32
    %mul3A_25 = vector.broadcast %mul3A_24 : f32 to vector<256x4000xf32>
    %mul3A_26 = arith.mulf %mul3A_25, %dot_general3A_13 : vector<256x4000xf32>
    %jit3A = arith.constant 0.000000e+00 : f32
    %broadcast_in_dim3A_27 = vector.shape_cast %gt3A_23 : vector<1x4000xi1> to vector<1x4000xi1>
    %broadcast_in_dim3A_28 = vector.broadcast %broadcast_in_dim3A_27 : vector<1x4000xi1> to vector<256x4000xi1>
    %broadcast_in_dim3A_29 = vector.broadcast %jit3A : f32 to vector<256x4000xf32>
    %select_n3A = arith.select %broadcast_in_dim3A_28, %mul3A_26, %broadcast_in_dim3A_29 : vector<256x4000xi1>, vector<256x4000xf32>
    %eq3A_30 = arith.constant 0 : i32
    %eq3A_31 = arith.cmpi eq, %arg1, %eq3A_30 : i32
    %convert_element_type3A_32 = arith.extui %eq3A_31 : i1 to i32
    %cond3A_33 = arith.constant 0 : i32
    %cond3A_34 = arith.cmpi ne, %convert_element_type3A_32, %cond3A_33 : i32
    scf.if %cond3A_34 {
      %get3A_48 = arith.constant 0 : index
      %get3A_49 = arith.constant 0 : index
      %get3A_50 = vector.load %arg15[%get3A_48, %get3A_49] : memref<256x1xf32, #tpu.memory_space<vmem>>, vector<256x1xf32>
      %reduce_max3A = arith.constant dense<0xFF800000> : vector<256xf32>
      %reduce_max3A_51 = vector.multi_reduction <maximumf>, %select_n3A, %reduce_max3A [1] : vector<256x4000xf32> to vector<256xf32>
      %broadcast_in_dim3A_52 = vector.shape_cast %reduce_max3A_51 : vector<256xf32> to vector<256x1xf32>
      %max3A = arith.maximumf %get3A_50, %broadcast_in_dim3A_52 : vector<256x1xf32>
      %swap3A = arith.constant 0 : index
      %swap3A_53 = arith.constant 0 : index
      %swap3A_54 = vector.load %arg15[%swap3A, %swap3A_53] : memref<256x1xf32, #tpu.memory_space<vmem>>, vector<256x1xf32>
      tpu.vector_store %arg15[%swap3A, %swap3A_53], %max3A {strides = array<i32>} : memref<256x1xf32, #tpu.memory_space<vmem>>, vector<256x1xf32>,
      %get3A_55 = arith.constant 0 : index
      %get3A_56 = arith.constant 0 : index
      %get3A_57 = vector.load %arg16[%get3A_55, %get3A_56] : memref<256x1xf32, #tpu.memory_space<vmem>>, vector<256x1xf32>
      %exp3A = math.exp %select_n3A : vector<256x4000xf32>
      %reduce_sum3A_58 = arith.constant dense<0.000000e+00> : vector<256xf32>
      %reduce_sum3A_59 = vector.multi_reduction <add>, %exp3A, %reduce_sum3A_58 [1] : vector<256x4000xf32> to vector<256xf32>
      %broadcast_in_dim3A_60 = vector.shape_cast %reduce_sum3A_59 : vector<256xf32> to vector<256x1xf32>
      %add3A_61 = arith.addf %get3A_57, %broadcast_in_dim3A_60 : vector<256x1xf32>
      %swap3A_62 = arith.constant 0 : index
      %swap3A_63 = arith.constant 0 : index
      %swap3A_64 = vector.load %arg16[%swap3A_62, %swap3A_63] : memref<256x1xf32, #tpu.memory_space<vmem>>, vector<256x1xf32>
      tpu.vector_store %arg16[%swap3A_62, %swap3A_63], %add3A_61 {strides = array<i32>} : memref<256x1xf32, #tpu.memory_space<vmem>>, vector<256x1xf32>,
    } else {
    }
    %eq3A_35 = arith.constant 1 : i32
    %eq3A_36 = arith.cmpi eq, %arg1, %eq3A_35 : i32
    %convert_element_type3A_37 = arith.extui %eq3A_36 : i1 to i32
    %cond3A_38 = arith.constant 0 : i32
    %cond3A_39 = arith.cmpi ne, %convert_element_type3A_37, %cond3A_38 : i32
    scf.if %cond3A_39 {
      %eq3A_48 = arith.constant 0 : i32
      %eq3A_49 = arith.cmpi eq, %arg2, %eq3A_48 : i32
      %convert_element_type3A_50 = arith.extui %eq3A_49 : i1 to i32
      %cond3A_51 = arith.constant 0 : i32
      %cond3A_52 = arith.cmpi ne, %convert_element_type3A_50, %cond3A_51 : i32
      scf.if %cond3A_52 {
        %get3A_85 = arith.constant 0 : index
        %get3A_86 = arith.constant 0 : index
        %get3A_87 = vector.load %arg16[%get3A_85, %get3A_86] : memref<256x1xf32, #tpu.memory_space<vmem>>, vector<256x1xf32>
        %get3A_88 = arith.constant 0 : index
        %get3A_89 = arith.constant 0 : index
        %get3A_90 = vector.load %arg15[%get3A_88, %get3A_89] : memref<256x1xf32, #tpu.memory_space<vmem>>, vector<256x1xf32>
        %neg3A = arith.constant 0.000000e+00 : f32
        %neg3A_91 = vector.broadcast %neg3A : f32 to vector<256x1xf32>
        %neg3A_92 = arith.subf %neg3A_91, %get3A_90 : vector<256x1xf32>
        %exp3A_93 = math.exp %neg3A_92 : vector<256x1xf32>
        %mul3A_94 = arith.mulf %get3A_87, %exp3A_93 : vector<256x1xf32>
        %swap3A_95 = arith.constant 0 : index
        %swap3A_96 = arith.constant 0 : index
        %swap3A_97 = vector.load %arg17[%swap3A_95, %swap3A_96] : memref<256x1xf32, #tpu.memory_space<vmem>>, vector<256x1xf32>
        tpu.vector_store %arg17[%swap3A_95, %swap3A_96], %mul3A_94 {strides = array<i32>} : memref<256x1xf32, #tpu.memory_space<vmem>>, vector<256x1xf32>,
      } else {
      }
      %get3A_53 = arith.constant 0 : index
      %get3A_54 = arith.constant 0 : index
      %get3A_55 = vector.load %arg15[%get3A_53, %get3A_54] : memref<256x1xf32, #tpu.memory_space<vmem>>, vector<256x1xf32>
      %sub3A = vector.broadcast %get3A_55 : vector<256x1xf32> to vector<256x4000xf32>
      %sub3A_56 = arith.subf %select_n3A, %sub3A : vector<256x4000xf32>
      %exp3A = math.exp %sub3A_56 : vector<256x4000xf32>
      %get3A_57 = arith.constant 0 : index
      %get3A_58 = arith.constant 0 : index
      %get3A_59 = vector.load %arg17[%get3A_57, %get3A_58] : memref<256x1xf32, #tpu.memory_space<vmem>>, vector<256x1xf32>
      %div3A_60 = vector.broadcast %get3A_59 : vector<256x1xf32> to vector<256x4000xf32>
      %div3A_61 = arith.divf %exp3A, %div3A_60 : vector<256x4000xf32>
      %get3A_62 = arith.constant 0 : index
      %get3A_63 = arith.constant 0 : index
      %get3A_64 = vector.load %arg18[%get3A_62, %get3A_63] : memref<256x64xf32, #tpu.memory_space<vmem>>, vector<256x64xf32>
      %get3A_65 = arith.constant 0 : index
      %get3A_66 = arith.constant 0 : index
      %get3A_67 = vector.load %arg5[%get3A_65, %get3A_66] : memref<4000x64xf32, #tpu.memory_space<vmem>>, vector<4000x64xf32>
      %dot_general3A_68 = arith.constant dense<0.000000e+00> : vector<256x64xf32>
      %dot_general3A_69 = tpu.matmul %div3A_61, %get3A_67, %dot_general3A_68 {dimension_numbers = #tpu.dot_dimension_numbers<[1], [0], [0], [1], [0, 0, 1, 1], [], []>, transpose_lhs_hint = false} : vector<256x4000xf32>, vector<4000x64xf32>, vector<256x64xf32> -> vector<256x64xf32>
      %add3A_70 = arith.addf %get3A_64, %dot_general3A_69 : vector<256x64xf32>
      %swap3A = arith.constant 0 : index
      %swap3A_71 = arith.constant 0 : index
      %swap3A_72 = vector.load %arg18[%swap3A, %swap3A_71] : memref<256x64xf32, #tpu.memory_space<vmem>>, vector<256x64xf32>
      tpu.vector_store %arg18[%swap3A, %swap3A_71], %add3A_70 {strides = array<i32>} : memref<256x64xf32, #tpu.memory_space<vmem>>, vector<256x64xf32>,
      %get3A_73 = arith.constant 0 : index
      %get3A_74 = arith.constant 0 : index
      %get3A_75 = vector.load %arg19[%get3A_73, %get3A_74] : memref<256x16xf32, #tpu.memory_space<vmem>>, vector<256x16xf32>
      %get3A_76 = arith.constant 0 : index
      %get3A_77 = arith.constant 0 : index
      %get3A_78 = vector.load %arg6[%get3A_76, %get3A_77] : memref<4000x16xf32, #tpu.memory_space<vmem>>, vector<4000x16xf32>
      %dot_general3A_79 = arith.constant dense<0.000000e+00> : vector<256x16xf32>
      %dot_general3A_80 = tpu.matmul %div3A_61, %get3A_78, %dot_general3A_79 {dimension_numbers = #tpu.dot_dimension_numbers<[1], [0], [0], [1], [0, 0, 1, 1], [], []>, transpose_lhs_hint = false} : vector<256x4000xf32>, vector<4000x16xf32>, vector<256x16xf32> -> vector<256x16xf32>
      %add3A_81 = arith.addf %get3A_75, %dot_general3A_80 : vector<256x16xf32>
      %swap3A_82 = arith.constant 0 : index
      %swap3A_83 = arith.constant 0 : index
      %swap3A_84 = vector.load %arg19[%swap3A_82, %swap3A_83] : memref<256x16xf32, #tpu.memory_space<vmem>>, vector<256x16xf32>
      tpu.vector_store %arg19[%swap3A_82, %swap3A_83], %add3A_81 {strides = array<i32>} : memref<256x16xf32, #tpu.memory_space<vmem>>, vector<256x16xf32>,
    } else {
    }
    %eq3A_40 = arith.constant 1 : i32
    %eq3A_41 = arith.cmpi eq, %arg1, %eq3A_40 : i32
    %eq3A_42 = arith.constant 24 : i32
    %eq3A_43 = arith.cmpi eq, %arg2, %eq3A_42 : i32
    %and3A_44 = arith.andi %eq3A_41, %eq3A_43 : i1
    %convert_element_type3A_45 = arith.extui %and3A_44 : i1 to i32
    %cond3A_46 = arith.constant 0 : i32
    %cond3A_47 = arith.cmpi ne, %convert_element_type3A_45, %cond3A_46 : i32
    scf.if %cond3A_47 {
      %get3A_48 = arith.constant 0 : index
      %get3A_49 = arith.constant 0 : index
      %get3A_50 = vector.load %arg18[%get3A_48, %get3A_49] : memref<256x64xf32, #tpu.memory_space<vmem>>, vector<256x64xf32>
      %swap3A = arith.constant 0 : index
      %swap3A_51 = arith.constant 0 : index
      %swap3A_52 = vector.load %arg12[%swap3A, %swap3A_51] : memref<256x64xf32, #tpu.memory_space<vmem>>, vector<256x64xf32>
      tpu.vector_store %arg12[%swap3A, %swap3A_51], %get3A_50 {strides = array<i32>} : memref<256x64xf32, #tpu.memory_space<vmem>>, vector<256x64xf32>,
      %get3A_53 = arith.constant 0 : index
      %get3A_54 = arith.constant 0 : index
      %get3A_55 = vector.load %arg19[%get3A_53, %get3A_54] : memref<256x16xf32, #tpu.memory_space<vmem>>, vector<256x16xf32>
      %swap3A_56 = arith.constant 0 : index
      %swap3A_57 = arith.constant 0 : index
      %swap3A_58 = vector.load %arg13[%swap3A_56, %swap3A_57] : memref<256x16xf32, #tpu.memory_space<vmem>>, vector<256x16xf32>
      tpu.vector_store %arg13[%swap3A_56, %swap3A_57], %get3A_55 {strides = array<i32>} : memref<256x16xf32, #tpu.memory_space<vmem>>, vector<256x16xf32>,
    } else {
    }
    return
  }
  func.func @transform_0(%arg0: i32, %arg1: i32, %arg2: i32) -> (i32, i32) {
    %c0_i32 = arith.constant 0 : i32
    %c0_i32_0 = arith.constant 0 : i32
    return %arg0, %c0_i32 : i32, i32
  }
  func.func @transform_1(%arg0: i32, %arg1: i32, %arg2: i32) -> (i32, i32) {
    %c0_i32 = arith.constant 0 : i32
    %c0_i32_0 = arith.constant 0 : i32
    return %arg2, %c0_i32 : i32, i32
  }
  func.func @transform_2(%arg0: i32, %arg1: i32, %arg2: i32) -> (i32, i32) {
    %c0_i32 = arith.constant 0 : i32
    %c0_i32_0 = arith.constant 0 : i32
    return %arg2, %c0_i32 : i32, i32
  }
  func.func @transform_3(%arg0: i32, %arg1: i32, %arg2: i32) -> (i32, i32) {
    %c0_i32 = arith.constant 0 : i32
    %c0_i32_0 = arith.constant 0 : i32
    return %arg2, %c0_i32 : i32, i32
  }
  func.func @transform_4(%arg0: i32, %arg1: i32, %arg2: i32) -> (i32, i32, i32) {
    %c0_i32 = arith.constant 0 : i32
    %c0_i32_0 = arith.constant 0 : i32
    %c0_i32_1 = arith.constant 0 : i32
    return %arg2, %c0_i32, %c0_i32_0 : i32, i32, i32
  }
  func.func @transform_5(%arg0: i32, %arg1: i32, %arg2: i32) -> (i32, i32) {
    %c0_i32 = arith.constant 0 : i32
    %c0_i32_0 = arith.constant 0 : i32
    %c0_i32_1 = arith.constant 0 : i32
    return %c0_i32, %c0_i32_0 : i32, i32
  }
  func.func @transform_6(%arg0: i32, %arg1: i32, %arg2: i32) -> (i32, i32) {
    %c0_i32 = arith.constant 0 : i32
    %c0_i32_0 = arith.constant 0 : i32
    %c0_i32_1 = arith.constant 0 : i32
    return %c0_i32, %c0_i32_0 : i32, i32
  }
  func.func @transform_7(%arg0: i32, %arg1: i32, %arg2: i32) -> (i32, i32) {
    %c0_i32 = arith.constant 0 : i32
    %c0_i32_0 = arith.constant 0 : i32
    %c0_i32_1 = arith.constant 0 : i32
    return %c0_i32, %c0_i32_0 : i32, i32
  }
  func.func @transform_8(%arg0: i32, %arg1: i32, %arg2: i32) -> (i32, i32) {
    %c0_i32 = arith.constant 0 : i32
    %c0_i32_0 = arith.constant 0 : i32
    %c0_i32_1 = arith.constant 0 : i32
    return %c0_i32, %c0_i32_0 : i32, i32
  }
  func.func @transform_9(%arg0: i32, %arg1: i32, %arg2: i32) -> (i32, i32) {
    %c0_i32 = arith.constant 0 : i32
    %c0_i32_0 = arith.constant 0 : i32
    return %arg0, %c0_i32 : i32, i32
  }
  func.func @transform_10(%arg0: i32, %arg1: i32, %arg2: i32) -> (i32, i32) {
    %c0_i32 = arith.constant 0 : i32
    %c0_i32_0 = arith.constant 0 : i32
    return %arg0, %c0_i32 : i32, i32
  }
}

</mosaic_0001>

<sc_bundles>
// kernel: gather_offload_async_start
scs
__scs_entry_jumppad:
0x0: {  	(pc) =	sbr.rel $0x88, $3  }
0x1: {  	(tag) =	ssettag $0x0;
	lr =	simm.s32 $0x1  }
0x2: {  	[smem:$0x3F8F] =	sst lr;
	_ =	strace $0xD0000000  }
0x3: {  	_ = 	snop  }
0x4: {  	_ = 	snop  }
0x5: {  	_ = 	snop  }
0x6: {  	_ = 	snop  }
0x7: {  	_ = 	snop  }
__scs_overlays_trampoline_lowered:
0x8: {  	[smem:$0x3F9E] =	sst s0  }
0x9: {  	[smem:$0x3F9F] =	sst s1  }
0xa: {  	[smem:$0x3FA0] =	sst s2  }
0xb: {  	[smem:$0x3FA1] =	sst s3  }
0xc: {  	[smem:$0x3FA2] =	sst s4  }
0xd: {  	[smem:$0x3FA3] =	sst s5  }
0xe: {  	[smem:$0x3FA4] =	sst s6  }
0xf: {  	[smem:$0x3FA5] =	sst s7  }
0x10: {  	[smem:$0x3FA6] =	sst s8  }
0x11: {  	[smem:$0x3FA7] =	sst s9;
	s0 =	simm.s32 @!p0 $0x0  }
0x12: {  	s1 =	sld [smem:$0x3F8D];
	s0 =	simm.s32 @p0 $0x1  }
0x13: {  	[smem:$0x3FA8] =	sst s0;
	s0 =	simm.s32 @!p1 $0x0  }
0x14: {  	s2 =	sld [smem:$0x3F8C];
	s0 =	simm.s32 @p1 $0x1  }
0x15: {  	[smem:$0x3FA9] =	sst s0;
	s0 =	simm.s32 @!p2 $0x0  }
0x16: {  	s3 =	sld [smem:$0x3FDB];
	s0 =	simm.s32 @p2 $0x1  }
0x17: {  	s4 =	simm.s32 $0x1BF5;
	[smem:$0x3FAB] =	sst s0  }
0x18: {  	s0 =	sld [smem:$0x3F8E];
	_ =	swait.ge [sflag:s4], $0x0  }
0x19: {  	s7 =	sld [smem:$0x3F8F]  }
0x1a: {  	s8 =	sadd.s32 $0xFFFFE003, lr  }
0x1b: {  	s9 =	sadd.s32 $0xFFFFFEF7, lr;
	s5 =	simm.s32 $0xFFFFFFFF;
	p2 =	slt.u32 s8, $0xFFFFF086  }
0x1c: {  	p1 =	slt.u32 s9, $0xF7A;
	s5 =	simm.s32 @!p2 $0x0  }
0x1d: {  	s5 =	simm.s32 @p1 $0x1;
	p0 =	seq.s32 s7, s2  }
0x1e: {  	s7 =	smul.u32 @!p0 $0xF7A, s2;
	p2 =	seq.s32 @!p0 s5, $0x0  }
0x1f: {  	s9 =	smul.u32 $0xF7A, s1;
	s8 =	simm.s32 @!p0 $0x1BF5;
	p2 =	por !p2, p0  }
0x20: {  	[sflag:s8] =	ssyncset.s32 @!p0 $0xFFFFF086;
	s6 =	sadd.s32 @!p0 s3, s7;
	s7 =	simm.s32 @!p0 $0x108  }
0x21: {  	s3 =	sadd.s32 s3, s9;
	s6 =	sadd.s32 @!p0 $0x88, s6;
	s7 =	simm.s32 @p2 $0x1082  }
0x22: {  	[simem:s7], [sflag:s8] =	dma.local @!p0 [hbm:s6], $0xF7A  }
0x23: {  	s9 =	sor.u32 $0xD0000000, s2;
	s6 =	simm.s32 $0x108;
	_ =	swait.ge @!p0 [sflag:s8], $0x0  }
0x24: {  	s3 =	sadd.s32 $0x88, s3;
	s6 =	simm.s32 @!p1 $0x1082;
	[sflag:s4] =	ssyncset.s32 $0xFFFFF086  }
0x25: {  	[simem:s6], [sflag:s4] =	dma.local [hbm:s3], $0xF7A  }
0x26: {  	[smem:$0x3F8F] =	sst s1;
	(tag) =	ssettag s2;
	_ =	strace s9  }
0x27: {  	s1 =	sld [smem:$0x3F9F]  }
0x28: {  	s2 =	sld [smem:$0x3FA0]  }
0x29: {  	s4 =	sld [smem:$0x3FA2]  }
0x2a: {  	p0 =	seq.s32 s5, $0x0;
	s5 =	sld [smem:$0x3FA3]  }
0x2b: {  	s6 =	sld [smem:$0x3FA4]  }
0x2c: {  	s7 =	sld [smem:$0x3FA5]  }
0x2d: {  	s3 =	simm.s32 $0x108;
	s8 =	sld [smem:$0x3FA6]  }
0x2e: {  	s3 =	simm.s32 @!p0 $0x1082;
	s9 =	sld [smem:$0x3FA7]  }
0x2f: {  	lr =	sadd.s32 s0, s3;
	s0 =	sld [smem:$0x3F9E]  }
0x30: {  	s3 =	sld [smem:$0x3FA1]  }
0x31: {  	[smem:$0x3FAA] =	sst s10  }
0x32: {  	s10 =	sld [smem:$0x3FA8];
	_ =	sdelay $0x3  }
0x33: {  	p0 =	seq.s32 s10, $0x1;
	s10 =	sld [smem:$0x3FAA];
	_ =	sdelay $0x3  }
0x34: {  	[smem:$0x3FAA] =	sst s10  }
0x35: {  	s10 =	sld [smem:$0x3FA9];
	_ =	sdelay $0x3  }
0x36: {  	p1 =	seq.s32 s10, $0x1;
	s10 =	sld [smem:$0x3FAA];
	_ =	sdelay $0x3  }
0x37: {  	[smem:$0x3FAA] =	sst s10  }
0x38: {  	s10 =	sld [smem:$0x3FAB]  }
0x39: {  	_ = 	snop;
	(pc) =	sbr.ind lr, $3  }
0x3a: {  	_ = 	snop  }
0x3b: {  	_ = 	snop  }
0x3c: {  	p2 =	seq.s32 s10, $0x1;
	s10 =	sld [smem:$0x3FAA]  }
0x3d: {  	_ =	shalt  }
0x3e: {  	_ =	shalt  }
0x3f: {  	_ =	shalt  }
0x40: {  	_ =	shalt  }
0x41: {  	_ =	shalt  }
0x42: {  	_ =	shalt  }
0x43: {  	_ =	shalt  }
0x44: {  	_ =	shalt  }
0x45: {  	_ =	shalt  }
0x46: {  	_ =	shalt  }
0x47: {  	_ =	shalt  }
0x48: {  	_ =	shalt  }
0x49: {  	_ =	shalt  }
0x4a: {  	_ =	shalt  }
0x4b: {  	_ =	shalt  }
0x4c: {  	_ =	shalt  }
0x4d: {  	_ =	shalt  }
0x4e: {  	_ =	shalt  }
0x4f: {  	_ =	shalt  }
0x50: {  	_ =	shalt  }
0x51: {  	_ =	shalt  }
0x52: {  	_ =	shalt  }
0x53: {  	_ =	shalt  }
0x54: {  	_ =	shalt  }
0x55: {  	_ =	shalt  }
0x56: {  	_ =	shalt  }
0x57: {  	_ =	shalt  }
0x58: {  	_ =	shalt  }
0x59: {  	_ =	shalt  }
0x5a: {  	_ =	shalt  }
0x5b: {  	_ =	shalt  }
0x5c: {  	_ =	shalt  }
0x5d: {  	_ =	shalt  }
0x5e: {  	_ =	shalt  }
0x5f: {  	_ =	shalt  }
0x60: {  	_ =	shalt  }
0x61: {  	_ =	shalt  }
0x62: {  	_ =	shalt  }
0x63: {  	_ =	shalt  }
0x64: {  	_ =	shalt  }
0x65: {  	_ =	shalt  }
0x66: {  	_ =	shalt  }
0x67: {  	_ =	shalt  }
0x68: {  	_ =	shalt  }
0x69: {  	_ =	shalt  }
0x6a: {  	_ =	shalt  }
0x6b: {  	_ =	shalt  }
0x6c: {  	_ =	shalt  }
0x6d: {  	_ =	shalt  }
0x6e: {  	_ =	shalt  }
0x6f: {  	_ =	shalt  }
0x70: {  	_ =	shalt  }
0x71: {  	_ =	shalt  }
0x72: {  	_ =	shalt  }
0x73: {  	_ =	shalt  }
0x74: {  	_ =	shalt  }
0x75: {  	_ =	shalt  }
0x76: {  	_ =	shalt  }
0x77: {  	_ =	shalt  }
0x78: {  	_ =	shalt  }
0x79: {  	_ =	shalt  }
0x7a: {  	_ =	shalt  }
0x7b: {  	_ =	shalt  }
0x7c: {  	_ =	shalt  }
0x7d: {  	_ =	shalt  }
0x7e: {  	_ =	shalt  }
0x7f: {  	_ =	shalt  }
0x80: {  	_ =	shalt  }
0x81: {  	_ =	shalt  }
0x82: {  	_ =	shalt  }
0x83: {  	_ =	shalt  }
0x84: {  	_ =	shalt  }
0x85: {  	_ =	shalt  }
0x86: {  	_ =	shalt  }
0x87: {  	_ =	shalt  }
.Lfunc_end0:
.L_simem_size_0:
called_computation_lowered:
.L_overlay_start_0:
0x88: {  	s2 =	sld [smem:$0x3FD9]  }
0x89: {  	s3 =	sld [smem:$0x3FFE];
	_ =	sdelay $0x1  }
0x8a: {  	s1 =	srdreg.scid  }
0x8b: {  	s0 =	sand.u32 $0x1, s1  }
0x8c: {  	s16 =	sshll.u32 s0, $0xA;
	s2 =	sadd.s32 s3, s2  }
0x8d: {  	s2 =	sadd.s32 s2, s16  }
0x8e: {  	[smem:$0x3FB6] =	sst s2  }
0x8f: {  	_ = 	snop  }
0x90: {  	(tm) =	ssettm $0x1  }
0x91: {  	s17 =	sld [smem:$0x3FFB];
	_ =	sdelay $0x3  }
0x92: {  	_ =	strace s17  }
0x93: {  	s2 =	sld [smem:$0x3FFC];
	_ =	sdelay $0x3  }
0x94: {  	_ =	strace s2  }
0x95: {  	s2 =	sld [smem:$0x3FFD];
	_ =	sdelay $0x3  }
0x96: {  	_ =	strace s2  }
0x97: {  	_ =	strace $0x8FFFFFFF  }
0x98: {  	s18 =	sld [smem:$0x3FDB];
	_ =	sdelay $0x1  }
0x99: {  	s19 =	simm.s32 $_scs_section_size  }
0x9a: {  	s4 =	simm.s32 $_size__tile_overlayer_lowered;
	s5 =	simm.s32 $_tile_overlayer_lowered  }
0x9b: {  	s22 =	simm.s32 $0x1BFF;
	s21 =	sshll.u32 s5, $0x1;
	s2 =	sadd.s32 s19, s18  }
0x9c: {  	s6 =	simm.s32 $0x0;
	s20 =	sshll.u32 s4, $0x1;
	s4 =	sadd.s32 s21, s2  }
0x9d: {  	[timem:s6], [sflag:s22] =	dma.local [hbm:s4], s20  }
0x9e: {  	_ =	swait.ge [sflag:s22], s20  }
0x9f: {  	s3 =	ssub.s32 $0x0, s20;
	[sflag:s22] =	ssyncset.done $0x0  }
0xa0: {  	[sflag:s22] =	ssyncadd.s32 s3;
	_ =	sdelay $0x1  }
0xa1: {  	s23 =	simm.s32 $0x1B8B  }
0xa2: {  	_ =	swait.ge [sflag:s23], $0x1  }
0xa3: {  	[sflag:s23] =	ssyncset.done $0x0  }
0xa4: {  	s25 =	simm.s32 $0x1B8E;
	s24 =	sld [smem:$0x3FFE];
	[sflag:s23] =	ssyncadd.s32 $0xFFFFFFFF  }
0xa5: {  	s26 =	simm.s32 $execute0_lowered;
	[smem:$0x3FD2] =	sst s25  }
0xa6: {  	s4 =	sshll.u32 s26, $0x1;
	_ =	strace $0x80000046;
	[dreg:$0x1] =	wrdreg $0xFFFFFFFF  }
0xa7: {  	s28 =	simm.s32 $_size_execute0_lowered;
	s2 =	sadd.s32 s2, s4;
	[dreg:$0x0] =	wrdreg $0x0  }
0xa8: {  	s4 =	sshll.u32 s28, $0x1;
	[dreg:$0x2] =	wrdreg s2  }
0xa9: {  	[dreg:$0x3] =	wrdreg s4  }
0xaa: {  	[dreg:$0x4] =	wrdreg $0xC0  }
0xab: {  	_ =	task [dreg:s6], $0x5FFFF  }
0xac: {  	[dreg:$0x1] =	wrdreg $0xFFFFFFFF  }
0xad: {  	[dreg:$0x0] =	wrdreg $0x60  }
0xae: {  	[dreg:$0x2] =	wrdreg s24  }
0xaf: {  	[dreg:$0x3] =	wrdreg $0x9  }
0xb0: {  	_ =	task.clear_ibuf [dreg:s6], $0x4FFFF;
	_ =	strace $0x90000046  }
0xb1: {  	s29 =	simm.s32 $0x9;
	_ =	strace $0x80000048  }
0xb2: {  	_ =	swait.ge [sflag:s29], $0x1  }
0xb3: {  	[sflag:s29] =	ssyncadd.s32 $0xFFFFFFFF  }
0xb4: {  	_ =	strace $0x90000048  }
0xb5: {  	_ =	sfence  }
0xb6: {  	s30 =	sld [smem:$0x0];
	_ =	sdelay $0x2  }
0xb7: {  	s31 =	sshll.u32 s1, $0xD;
	s1 =	sshrl.u32 s1, $0x2  }
0xb8: {  	s3 =	sand.u32 $0x4000, s31;
	s1 =	sadd.s32 s1, s30  }
0xb9: {  	s0 =	sor.u32 s3, s0;
	s1 =	sshll.u32 s1, $0x11  }
0xba: {  	s0 =	sor.u32 s1, s0  }
0xbb: {  	s0 =	sadd.s32 $0x8F2B, s0  }
0xbc: {  	[sflag:s0] =	ssyncadd.remote.s32 $0x1  }
0xbd: {  	_ =	sfence.sel $0xFFFF  }
0xbe: {  	[dreg:$0x0] =	wrdreg $0xFFFFFFFF;
	(pc) =	sbr.abs _section_cstart, $3  }
0xbf: {  	[dreg:$0x1] =	wrdreg $0xFFFFFFFF  }
0xc0: {  	_ =	task.clear_ibuf [dreg:s6], $0x2FFFF;
	_ =	strace $0x9FFFFFFF  }
0xc1: {  	(tm) =	ssettm $0x7FFFFFFF  }
tec
execute0_lowered:
.L_overlay_start_1:
0x0: {  	(tag) =	ssettag $0x1  }
0x1: {  	s7 =	rddreg [dreg:$0x0]  }
0x2: {  	s0 =	rddreg [dreg:$0x1];
	_ =	strace $0x80000047  }
0x3: {  	s1 =	srdreg.scid;
	s4 =	simm.s32 $0x1;
	s9 =	simm.s32 $0x3  }
0x4: {  	s12 =	simm.s32 $0x0;
	s10 =	simm.s32 $0x0;
	s5 =	sshll.u32 s1, $0x4  }
.Ltmp0:
0x5: {  	s1 =	stileid.u32;
	s5 =	sand.u32 $0x10, s5;
	(pc) =	sbr.rel .LBB2_1-.Ltmp0, $4  }
0x6: {  	s2 =	sadd.s32 $0x32400, s7;
	s3 =	sadd.s32 $0x32200, s7;
	s6 =	sor.u32 s1, s5  }
0x7: {  	[sflag:s4] =	ssyncpa.u1 $0x0;
	s5 =	simm.s32 $0x2;
	s6 =	sshll.u32 s6, $0x7  }
0x8: {  	s7 =	sadd.s32 $0x42400, s7;
	[sflag:s5] =	ssyncpa.u1 $0x0;
	s8 =	sadd.s32 $0x80, s6  }
0x9: {  	vm0 =	vmmov $0xff;
	vm1 =	vcmask $0x3F20;
	[sflag:s9] =	ssyncpa.u1 $0x0;
	s9 =	simm.s32 $0x80;
	s11 =	smov.u32 s6  }
.LBB2_9:
0xa: {  	p0 =	seq.s32 s10, $0x2  }
.Ltmp1:
0xb: {  	_ = 	snop;
	(pc) =	sbr.rel @p0 .LBB2_11-.Ltmp1, $1  }
0xc: {  	_ =	sdelay $0x3  }
.LBB2_10:
0xd: {  	s12 =	sadd.s32 $0x80, s11  }
0xe: {  	s13 =	smov.u32 s6;
	p0 =	slt.s32 s12, s8  }
0xf: {  	s13 =	smov.u32 @p0 s12  }
0x10: {  	s10 =	sadd.s32 $0x1, s10;
	s12 =	smov.u32 s11;
	s11 =	smov.u32 s13  }
.LBB2_1:
0x11: {  	p0 =	sne.s32 s10, $0x0  }
.Ltmp2:
0x12: {  	_ = 	snop;
	(pc) =	sbr.rel @!p0 .LBB2_2-.Ltmp2, $1  }
0x13: {  	_ =	sdelay $0x3  }
0x14: {  	s13 =	sand.u32 $0x1, s10  }
0x15: {  	p0 =	seq.s32 s13, $0x0  }
.Ltmp3:
0x16: {  	_ = 	snop;
	(pc) =	sbr.rel @p0 .LBB2_9-.Ltmp3, $1  }
0x17: {  	_ =	sdelay $0x3  }
0x18: {  	_ =	swait.ge [sflag:s5], $0x80  }
0x19: {  	[sflag:s5] =	ssyncset.done $0x0  }
0x1a: {  	s13 =	simm.s32 $0x0;
	[sflag:s5] =	ssyncadd.s32 $0xFFFFFF80  }
0x1b: {  	v0 =	vld.msk [tilespmem:s13+$0x80 ss:$0x1], $0xffff;
	_ =	sdelay $0x4  }
0x1c: {  	vm2 =	vgt.s32 v0, $0x0  }
0x1d: {  	v0 =	vnsel vm2, $0x0, v0  }
0x1e: {  	v0 =	vmin.u32 v0, $0xFFF  }
0x1f: {  	v0 =	vshll.u32 v0, $0x4;
	_ =	sdelay $0x3  }
0x20: {  	s13 =	simm.s32 $0x4100  }
0x21: {  	[tilespmem:s13], [sflag:$0x1] =	stream.indirect_vreg.gather [hbm:s2], $0x80, v0, vm0, $0x38;
	[tilespmem:$0x8100] =	vst v63  }
0x22: {  	s14 =	simm.s32 $0x4500;
	s31 =	simm.s32 $0x10  }
0x23: {  	[tilespmem:s14], [sflag:$0x1] =	stream.indirect_vreg.gather [hbm:s2], $0x80, v0, vm1, $0x38;
	[tilespmem:$0x8100] =	vst v63  }
0x24: {  	s14 =	simm.s32 $0x80;
	v0 =	vld.msk [tilespmem:s31+$0x80 ss:$0x1], $0xffff  }
.LBB2_5:
0x25: {  	p0 =	sne.s32 s14, $0x1C0;
	_ =	sdelay $0x4  }
0x26: {  	vm2 =	vgt.s32 v0, $0x0  }
0x27: {  	v0 =	vnsel vm2, $0x0, v0  }
0x28: {  	v0 =	vmin.u32 v0, $0xFFF  }
0x29: {  	v0 =	vshll.u32 v0, $0x4;
	_ =	sdelay $0x3  }
.Ltmp4:
0x2a: {  	s13 =	sadd.s32 $0x800, s13;
	(pc) =	sbr.rel @p0 .LBB2_5-.Ltmp4, $4  }
0x2b: {  	[tilespmem:s13], [sflag:$0x1] =	stream.indirect_vreg.gather [hbm:s2], $0x80, v0, vm0, $0x38;
	[tilespmem:$0x8100] =	vst v63  }
0x2c: {  	s15 =	sshra.s32 s14, $0x2;
	s16 =	sadd.s32 $0x400, s13  }
0x2d: {  	[tilespmem:s16], [sflag:$0x1] =	stream.indirect_vreg.gather [hbm:s2], $0x80, v0, vm1, $0x38;
	[tilespmem:$0x8100] =	vst v63  }
0x2e: {  	s14 =	sadd.s32 $0x40, s14;
	v0 =	vld.msk [tilespmem:s15+$0x80 ss:$0x1], $0xffff  }
0x2f: {  	_ =	sdelay $0x3  }
0x30: {  	vm2 =	vgt.s32 v0, $0x0  }
0x31: {  	v0 =	vnsel vm2, $0x0, v0  }
0x32: {  	v0 =	vmin.u32 v0, $0xFFF  }
0x33: {  	v0 =	vshll.u32 v0, $0x4;
	_ =	sdelay $0x3  }
0x34: {  	s13 =	sadd.s32 $0x800, s13  }
0x35: {  	[tilespmem:s13], [sflag:$0x1] =	stream.indirect_vreg.gather [hbm:s2], $0x80, v0, vm0, $0x38;
	[tilespmem:$0x8100] =	vst v63  }
0x36: {  	s13 =	sadd.s32 $0x400, s13  }
0x37: {  	[tilespmem:s13], [sflag:$0x1] =	stream.indirect_vreg.gather [hbm:s2], $0x80, v0, vm1, $0x38;
	[tilespmem:$0x8100] =	vst v63  }
0x38: {  	s12 =	sshll.u32 s12, $0x4;
	s14 =	simm.s32 $0x80;
	_ =	swait.ge [sflag:s4], $0x4000  }
0x39: {  	s15 =	simm.s32 $0x4500;
	s12 =	sadd.s32 s12, s7;
	[sflag:s4] =	ssyncset.done $0x0  }
0x3a: {  	s16 =	sadd.s32 $0x0, s12;
	s13 =	simm.s32 $0x4100;
	[sflag:s4] =	ssyncadd.s32 $0xFFFFC000  }
.LBB2_7:
0x3b: {  	[hbm:s16] =	stream.linear.scatter [tilespmem:s13], [sflag:$0x3], $0x400, $0x38;
	[tilespmem:$0x8100] =	vst v63  }
0x3c: {  	s16 =	smov.u32 s14;
	s13 =	smov.u32 s15;
	p0 =	sne.s32 s14, $0x780  }
.Ltmp5:
0x3d: {  	s14 =	sadd.s32 $0x80, s14;
	(pc) =	sbr.rel @p0 .LBB2_7-.Ltmp5, $2  }
0x3e: {  	_ =	sdelay $0x2  }
0x3f: {  	s15 =	sadd.s32 $0x400, s15;
	s16 =	sadd.s32 s16, s12  }
.Ltmp6:
0x40: {  	(pc) =	sbr.rel .LBB2_9-.Ltmp6, $2  }
0x41: {  	_ =	sdelay $0x2  }
0x42: {  	[hbm:s16] =	stream.linear.scatter [tilespmem:s13], [sflag:$0x3], $0x400, $0x38;
	[tilespmem:$0x8100] =	vst v63  }
.LBB2_2:
.Ltmp7:
0x43: {  	(pc) =	sbr.rel .LBB2_10-.Ltmp7, $4  }
0x44: {  	_ = 	snop  }
0x45: {  	s12 =	sshrl.u32 s11, $0x3  }
0x46: {  	s13 =	sand.u32 $0x7, s11;
	s12 =	sadd.s32 s3, s12  }
0x47: {  	[tilespmem:s9], [sflag:$0x2] =	stream.linear.gather [hbm4b:s12+s13], $0x80, $0x38;
	[tilespmem:$0x8100] =	vst v63  }
.LBB2_11:
0x48: {  	s2 =	simm.s32 $0x3  }
0x49: {  	_ =	swait.ge [sflag:s2], $0x4000  }
0x4a: {  	[sflag:s2] =	ssyncset.done $0x0  }
0x4b: {  	[sflag:s2] =	ssyncadd.s32 $0xFFFFC000  }
0x4c: {  	_ =	sfence.sel $0x180000  }
0x4d: {  	s3 =	simm.s32 $0x2;
	[bflag:$0x0] =	sbarrier.arrive $0xFFFF  }
0x4e: {  	[sflag:s3] =	ssyncpa.u1 $0x1  }
0x4f: {  	s31 =	simm.s32 $0x1;
	[sflag:s2] =	ssyncpa.u1 $0x1  }
0x50: {  	[sflag:s31] =	ssyncpa.u1 $0x1  }
0x51: {  	p0 =	sne.s32 s1, $0x0;
	_ =	strace $0x90000047  }
0x52: {  	s0 =	sadd.s32 @!p0 $0x100000, s0;
	[bflag:$0x2] =	sbarrier.arrive $0xFFFF  }
0x53: {  	[sflag:s0] =	ssyncadd.tile.s32 @!p0 $0x1;
	_ =	shalt  }
.Lfunc_end2:
_tile_overlayer_lowered:
.L_overlay_start_2:
0x54: {  	(tag) =	ssettag $0x2  }
0x55: {  	s0 =	rddreg [dreg:$0x0];
	s2 =	stileid.u32  }
0x56: {  	s1 =	rddreg [dreg:$0x1];
	p0 =	sne.s32 s2, $0x0  }
0x57: {  	s3 =	rddreg [dreg:$0x2];
	[bflag:$0x3] =	sbarrier.arrive $0xFFFF;
	s2 =	simm.s32 @!p0 $0x1C01  }
0x58: {  	[timem:s3], [sflag:s2] =	dma.local @!p0 [hbm:s0], s1  }
0x59: {  	s0 =	simm.s32 @!p0 $0x1  }
0x5a: {  	_ =	swait.ge @!p0 [sflag:s0], s1  }
0x5b: {  	s1 =	ssub.s32 @!p0 $0x0, s1;
	[sflag:s0] =	ssyncset.done @!p0 $0x0  }
0x5c: {  	[sflag:s0] =	ssyncadd.s32 @!p0 s1  }
0x5d: {  	[bflag:$0x3] =	sbarrier.arrive $0xFFFF  }
0x5e: {  	_ =	shalt  }

// kernel: kernel.6.cloned.1.call-start
scs
__scs_entry_jumppad:
0x0: {  	(pc) =	sbr.rel $0x88, $3  }
0x1: {  	(tag) =	ssettag $0x0;
	lr =	simm.s32 $0x1  }
0x2: {  	[smem:$0x3F8F] =	sst lr;
	_ =	strace $0xD0000000  }
0x3: {  	_ = 	snop  }
0x4: {  	_ = 	snop  }
0x5: {  	_ = 	snop  }
0x6: {  	_ = 	snop  }
0x7: {  	_ = 	snop  }
__scs_overlays_trampoline_lowered:
0x8: {  	[smem:$0x3F9E] =	sst s0  }
0x9: {  	[smem:$0x3F9F] =	sst s1  }
0xa: {  	[smem:$0x3FA0] =	sst s2  }
0xb: {  	[smem:$0x3FA1] =	sst s3  }
0xc: {  	[smem:$0x3FA2] =	sst s4  }
0xd: {  	[smem:$0x3FA3] =	sst s5  }
0xe: {  	[smem:$0x3FA4] =	sst s6  }
0xf: {  	[smem:$0x3FA5] =	sst s7  }
0x10: {  	[smem:$0x3FA6] =	sst s8  }
0x11: {  	[smem:$0x3FA7] =	sst s9;
	s0 =	simm.s32 @!p0 $0x0  }
0x12: {  	s1 =	sld [smem:$0x3F8D];
	s0 =	simm.s32 @p0 $0x1  }
0x13: {  	[smem:$0x3FA8] =	sst s0;
	s0 =	simm.s32 @!p1 $0x0  }
0x14: {  	s2 =	sld [smem:$0x3F8C];
	s0 =	simm.s32 @p1 $0x1  }
0x15: {  	[smem:$0x3FA9] =	sst s0;
	s0 =	simm.s32 @!p2 $0x0  }
0x16: {  	s3 =	sld [smem:$0x3FDB];
	s0 =	simm.s32 @p2 $0x1  }
0x17: {  	s4 =	simm.s32 $0x1BF5;
	[smem:$0x3FAB] =	sst s0  }
0x18: {  	s0 =	sld [smem:$0x3F8E];
	_ =	swait.ge [sflag:s4], $0x0  }
0x19: {  	s7 =	sld [smem:$0x3F8F]  }
0x1a: {  	s8 =	sadd.s32 $0xFFFFE003, lr  }
0x1b: {  	s9 =	sadd.s32 $0xFFFFFEF7, lr;
	s5 =	simm.s32 $0xFFFFFFFF;
	p2 =	slt.u32 s8, $0xFFFFF086  }
0x1c: {  	p1 =	slt.u32 s9, $0xF7A;
	s5 =	simm.s32 @!p2 $0x0  }
0x1d: {  	s5 =	simm.s32 @p1 $0x1;
	p0 =	seq.s32 s7, s2  }
0x1e: {  	s7 =	smul.u32 @!p0 $0xF7A, s2;
	p2 =	seq.s32 @!p0 s5, $0x0  }
0x1f: {  	s9 =	smul.u32 $0xF7A, s1;
	s8 =	simm.s32 @!p0 $0x1BF5;
	p2 =	por !p2, p0  }
0x20: {  	[sflag:s8] =	ssyncset.s32 @!p0 $0xFFFFF086;
	s6 =	sadd.s32 @!p0 s3, s7;
	s7 =	simm.s32 @!p0 $0x108  }
0x21: {  	s3 =	sadd.s32 s3, s9;
	s6 =	sadd.s32 @!p0 $0x88, s6;
	s7 =	simm.s32 @p2 $0x1082  }
0x22: {  	[simem:s7], [sflag:s8] =	dma.local @!p0 [hbm:s6], $0xF7A  }
0x23: {  	s9 =	sor.u32 $0xD0000000, s2;
	s6 =	simm.s32 $0x108;
	_ =	swait.ge @!p0 [sflag:s8], $0x0  }
0x24: {  	s3 =	sadd.s32 $0x88, s3;
	s6 =	simm.s32 @!p1 $0x1082;
	[sflag:s4] =	ssyncset.s32 $0xFFFFF086  }
0x25: {  	[simem:s6], [sflag:s4] =	dma.local [hbm:s3], $0xF7A  }
0x26: {  	[smem:$0x3F8F] =	sst s1;
	(tag) =	ssettag s2;
	_ =	strace s9  }
0x27: {  	s1 =	sld [smem:$0x3F9F]  }
0x28: {  	s2 =	sld [smem:$0x3FA0]  }
0x29: {  	s4 =	sld [smem:$0x3FA2]  }
0x2a: {  	p0 =	seq.s32 s5, $0x0;
	s5 =	sld [smem:$0x3FA3]  }
0x2b: {  	s6 =	sld [smem:$0x3FA4]  }
0x2c: {  	s7 =	sld [smem:$0x3FA5]  }
0x2d: {  	s3 =	simm.s32 $0x108;
	s8 =	sld [smem:$0x3FA6]  }
0x2e: {  	s3 =	simm.s32 @!p0 $0x1082;
	s9 =	sld [smem:$0x3FA7]  }
0x2f: {  	lr =	sadd.s32 s0, s3;
	s0 =	sld [smem:$0x3F9E]  }
0x30: {  	s3 =	sld [smem:$0x3FA1]  }
0x31: {  	[smem:$0x3FAA] =	sst s10  }
0x32: {  	s10 =	sld [smem:$0x3FA8];
	_ =	sdelay $0x3  }
0x33: {  	p0 =	seq.s32 s10, $0x1;
	s10 =	sld [smem:$0x3FAA];
	_ =	sdelay $0x3  }
0x34: {  	[smem:$0x3FAA] =	sst s10  }
0x35: {  	s10 =	sld [smem:$0x3FA9];
	_ =	sdelay $0x3  }
0x36: {  	p1 =	seq.s32 s10, $0x1;
	s10 =	sld [smem:$0x3FAA];
	_ =	sdelay $0x3  }
0x37: {  	[smem:$0x3FAA] =	sst s10  }
0x38: {  	s10 =	sld [smem:$0x3FAB]  }
0x39: {  	_ = 	snop;
	(pc) =	sbr.ind lr, $3  }
0x3a: {  	_ = 	snop  }
0x3b: {  	_ = 	snop  }
0x3c: {  	p2 =	seq.s32 s10, $0x1;
	s10 =	sld [smem:$0x3FAA]  }
0x3d: {  	_ =	shalt  }
0x3e: {  	_ =	shalt  }
0x3f: {  	_ =	shalt  }
0x40: {  	_ =	shalt  }
0x41: {  	_ =	shalt  }
0x42: {  	_ =	shalt  }
0x43: {  	_ =	shalt  }
0x44: {  	_ =	shalt  }
0x45: {  	_ =	shalt  }
0x46: {  	_ =	shalt  }
0x47: {  	_ =	shalt  }
0x48: {  	_ =	shalt  }
0x49: {  	_ =	shalt  }
0x4a: {  	_ =	shalt  }
0x4b: {  	_ =	shalt  }
0x4c: {  	_ =	shalt  }
0x4d: {  	_ =	shalt  }
0x4e: {  	_ =	shalt  }
0x4f: {  	_ =	shalt  }
0x50: {  	_ =	shalt  }
0x51: {  	_ =	shalt  }
0x52: {  	_ =	shalt  }
0x53: {  	_ =	shalt  }
0x54: {  	_ =	shalt  }
0x55: {  	_ =	shalt  }
0x56: {  	_ =	shalt  }
0x57: {  	_ =	shalt  }
0x58: {  	_ =	shalt  }
0x59: {  	_ =	shalt  }
0x5a: {  	_ =	shalt  }
0x5b: {  	_ =	shalt  }
0x5c: {  	_ =	shalt  }
0x5d: {  	_ =	shalt  }
0x5e: {  	_ =	shalt  }
0x5f: {  	_ =	shalt  }
0x60: {  	_ =	shalt  }
0x61: {  	_ =	shalt  }
0x62: {  	_ =	shalt  }
0x63: {  	_ =	shalt  }
0x64: {  	_ =	shalt  }
0x65: {  	_ =	shalt  }
0x66: {  	_ =	shalt  }
0x67: {  	_ =	shalt  }
0x68: {  	_ =	shalt  }
0x69: {  	_ =	shalt  }
0x6a: {  	_ =	shalt  }
0x6b: {  	_ =	shalt  }
0x6c: {  	_ =	shalt  }
0x6d: {  	_ =	shalt  }
0x6e: {  	_ =	shalt  }
0x6f: {  	_ =	shalt  }
0x70: {  	_ =	shalt  }
0x71: {  	_ =	shalt  }
0x72: {  	_ =	shalt  }
0x73: {  	_ =	shalt  }
0x74: {  	_ =	shalt  }
0x75: {  	_ =	shalt  }
0x76: {  	_ =	shalt  }
0x77: {  	_ =	shalt  }
0x78: {  	_ =	shalt  }
0x79: {  	_ =	shalt  }
0x7a: {  	_ =	shalt  }
0x7b: {  	_ =	shalt  }
0x7c: {  	_ =	shalt  }
0x7d: {  	_ =	shalt  }
0x7e: {  	_ =	shalt  }
0x7f: {  	_ =	shalt  }
0x80: {  	_ =	shalt  }
0x81: {  	_ =	shalt  }
0x82: {  	_ =	shalt  }
0x83: {  	_ =	shalt  }
0x84: {  	_ =	shalt  }
0x85: {  	_ =	shalt  }
0x86: {  	_ =	shalt  }
0x87: {  	_ =	shalt  }
.Lfunc_end0:
.L_simem_size_0:
called_computation.1_lowered:
.L_overlay_start_0:
0x88: {  	s2 =	sld [smem:$0x3FD9]  }
0x89: {  	s3 =	sld [smem:$0x3FFE];
	_ =	sdelay $0x1  }
0x8a: {  	s1 =	srdreg.scid  }
0x8b: {  	s0 =	sand.u32 $0x1, s1  }
0x8c: {  	s15 =	sshll.u32 s0, $0xA;
	s2 =	sadd.s32 s3, s2  }
0x8d: {  	s2 =	sadd.s32 s2, s15  }
0x8e: {  	[smem:$0x3FB6] =	sst s2  }
0x8f: {  	_ = 	snop  }
0x90: {  	s2 =	sld [smem:$0x3FD0];
	_ =	sdelay $0x2  }
0x91: {  	s4 =	simm.s32 $0xB;
	s16 =	simm.s32 $0x10  }
0x92: {  	[smem:s16], [sflag:s4] =	dma.local [hbm:s2], $0x1  }
0x93: {  	_ =	swait.eq [sflag:s4], $0x1  }
0x94: {  	s17 =	sld [smem:$0x10];
	[sflag:s4] =	ssyncset.done $0x0  }
0x95: {  	s5 =	sld [smem:$0x11];
	[sflag:s4] =	ssyncadd.s32 $0xFFFFFFFF  }
0x96: {  	s18 =	sld [smem:$0x13];
	(tm) =	ssettm $0x1  }
0x97: {  	s19 =	sld [smem:$0x3FFB];
	_ =	sdelay $0x3  }
0x98: {  	_ =	strace s19  }
0x99: {  	s2 =	sld [smem:$0x3FFC];
	_ =	sdelay $0x3  }
0x9a: {  	_ =	strace s2  }
0x9b: {  	s2 =	sld [smem:$0x3FFD];
	_ =	sdelay $0x3  }
0x9c: {  	_ =	strace s2  }
0x9d: {  	_ =	strace $0x8FFFFFFF  }
0x9e: {  	s20 =	sld [smem:$0x3FDB];
	_ =	sdelay $0x1  }
0x9f: {  	s6 =	simm.s32 $_scs_section_size  }
0xa0: {  	s7 =	simm.s32 $_size__tile_overlayer_lowered;
	s8 =	simm.s32 $_tile_overlayer_lowered  }
0xa1: {  	s9 =	simm.s32 $0x1BFF;
	s21 =	sshll.u32 s8, $0x1;
	s6 =	sadd.s32 s6, s20  }
0xa2: {  	s22 =	simm.s32 $0x0;
	s7 =	sshll.u32 s7, $0x1;
	s8 =	sadd.s32 s21, s6  }
0xa3: {  	[timem:s22], [sflag:s9] =	dma.local [hbm:s8], s7  }
0xa4: {  	_ =	swait.ge [sflag:s9], s7  }
0xa5: {  	s7 =	ssub.s32 $0x0, s7;
	[sflag:s9] =	ssyncset.done $0x0  }
0xa6: {  	[sflag:s9] =	ssyncadd.s32 s7;
	_ =	sdelay $0x1  }
0xa7: {  	s23 =	simm.s32 $0x1B8B  }
0xa8: {  	_ =	swait.ge [sflag:s23], $0x1  }
0xa9: {  	[sflag:s23] =	ssyncset.done $0x0  }
0xaa: {  	[sflag:s23] =	ssyncadd.s32 $0xFFFFFFFF  }
0xab: {  	s7 =	sld [smem:$0x0]  }
0xac: {  	s8 =	sand.u32 $0xFFFFFFFE, s1  }
0xad: {  	p0 =	sne.s32 s1, s8  }
0xae: {  	s8 =	sshll.u32 @p0 s8, $0xE  }
0xaf: {  	s8 =	sadd.s32 @p0 $0x11B8D, s8;
	s9 =	sshll.u32 @p0 s7, $0x11  }
0xb0: {  	s8 =	sor.u32 @p0 s9, s8  }
0xb1: {  	[sflag:s8] =	ssyncadd.remote.s32 @p0 $0x1;
	_ =	sdelay $0x1  }
0xb2: {  	s8 =	simm.s32 @p0 $0x1B8D  }
0xb3: {  	_ =	swait.eq @p0 [sflag:s8], $0x1  }
0xb4: {  	[sflag:s8] =	ssyncadd.s32 @p0 $0xFFFFFFFF  }
0xb5: {  	s9 =	sshll.u32 @!p0 s1, $0xE  }
0xb6: {  	s9 =	sor.u32 @!p0 $0x4000, s9;
	s8 =	simm.s32 @!p0 $0x1B8D  }
0xb7: {  	s7 =	sshll.u32 @!p0 s7, $0x11;
	s9 =	sadd.s32 @!p0 $0x11B8D, s9;
	_ =	swait.eq @!p0 [sflag:s8], $0x1  }
0xb8: {  	s7 =	sor.u32 @!p0 s7, s9;
	[sflag:s8] =	ssyncadd.s32 @!p0 $0xFFFFFFFF  }
0xb9: {  	s25 =	simm.s32 $0x1B8E;
	s24 =	sld [smem:$0x3FFE];
	[sflag:s7] =	ssyncadd.remote.s32 @!p0 $0x1  }
0xba: {  	s26 =	simm.s32 $execute0_lowered;
	[smem:$0x3FD2] =	sst s25  }
0xbb: {  	s8 =	sshll.u32 s26, $0x1;
	_ =	strace $0x80000049;
	[dreg:$0x1] =	wrdreg $0xFFFFFFFF  }
0xbc: {  	s28 =	simm.s32 $_size_execute0_lowered;
	s6 =	sadd.s32 s6, s8;
	[dreg:$0x0] =	wrdreg $0x0  }
0xbd: {  	s8 =	sshll.u32 s28, $0x1;
	[dreg:$0x2] =	wrdreg s6  }
0xbe: {  	[dreg:$0x3] =	wrdreg s8  }
0xbf: {  	[dreg:$0x4] =	wrdreg $0xC0  }
0xc0: {  	_ =	task [dreg:s22], $0x5FFFF  }
0xc1: {  	[dreg:$0x1] =	wrdreg $0xFFFFFFFF  }
0xc2: {  	[dreg:$0x0] =	wrdreg $0x60  }
0xc3: {  	[dreg:$0x2] =	wrdreg s24  }
0xc4: {  	[dreg:$0x3] =	wrdreg s5  }
0xc5: {  	[dreg:$0x4] =	wrdreg s17  }
0xc6: {  	[dreg:$0x5] =	wrdreg s18  }
0xc7: {  	[dreg:$0x6] =	wrdreg $0xA  }
0xc8: {  	_ =	task.clear_ibuf [dreg:s22], $0x7FFFF;
	_ =	strace $0x90000049  }
0xc9: {  	s29 =	simm.s32 $0xA;
	_ =	strace $0x8000004B  }
0xca: {  	_ =	swait.ge [sflag:s29], $0x1  }
0xcb: {  	[sflag:s29] =	ssyncadd.s32 $0xFFFFFFFF  }
0xcc: {  	_ =	strace $0x9000004B  }
0xcd: {  	_ =	sfence  }
0xce: {  	s30 =	sld [smem:$0x0];
	_ =	sdelay $0x2  }
0xcf: {  	s31 =	sshll.u32 s1, $0xD;
	s1 =	sshrl.u32 s1, $0x2  }
0xd0: {  	s4 =	sand.u32 $0x4000, s31;
	s1 =	sadd.s32 s1, s30  }
0xd1: {  	s0 =	sor.u32 s4, s0;
	s1 =	sshll.u32 s1, $0x11  }
0xd2: {  	s0 =	sor.u32 s1, s0  }
0xd3: {  	s0 =	sadd.s32 $0x8F2B, s0  }
0xd4: {  	[sflag:s0] =	ssyncadd.remote.s32 $0x1  }
0xd5: {  	_ =	sfence.sel $0xFFFF  }
0xd6: {  	[dreg:$0x0] =	wrdreg $0xFFFFFFFF;
	(pc) =	sbr.abs _section_cstart, $3  }
0xd7: {  	[dreg:$0x1] =	wrdreg $0xFFFFFFFF  }
0xd8: {  	_ =	task.clear_ibuf [dreg:s22], $0x2FFFF;
	_ =	strace $0x9FFFFFFF  }
0xd9: {  	(tm) =	ssettm $0x7FFFFFFF  }
tec
execute0_lowered:
.L_overlay_start_1:
0x0: {  	(tag) =	ssettag $0x1  }
0x1: {  	s6 =	rddreg [dreg:$0x0]  }
0x2: {  	s7 =	rddreg [dreg:$0x1]  }
0x3: {  	s8 =	rddreg [dreg:$0x2]  }
0x4: {  	s2 =	rddreg [dreg:$0x3]  }
0x5: {  	s0 =	rddreg [dreg:$0x4];
	s4 =	srdreg.scid  }
0x6: {  	s1 =	stileid.u32;
	s3 =	simm.s32 $0x0;
	s14 =	simm.s32 $0x80  }
0x7: {  	s15 =	simm.s32 $0x100;
	s16 =	simm.s32 $0xC180;
	s17 =	simm.s32 $0x10180  }
0x8: {  	s18 =	simm.s32 $0x14180;
	s19 =	simm.s32 $0x180;
	s20 =	simm.s32 $0x4180  }
0x9: {  	s21 =	simm.s32 $0x8180;
	s22 =	simm.s32 $0x1;
	s23 =	simm.s32 $0x2  }
0xa: {  	s24 =	simm.s32 $0x3;
	s25 =	simm.s32 $0x0;
	s5 =	sand.u32 $0x1, s4  }
0xb: {  	s30 =	sshll.u32 s1, $0x1;
	[smem:$0x7FF] =	sst s3;
	s4 =	sadd.s32 $0x52400, s6  }
0xc: {  	s9 =	sor.u32 s5, s30;
	_ =	strace $0x8000004A;
	s12 =	ssub.s32 $0x2, s5  }
0xd: {  	s5 =	sadd.s32 $0x115C00, s6;
	s10 =	sshll.u32 s9, $0x4;
	s9 =	sshll.u32 s9, $0xB  }
0xe: {  	s31 =	sshrl.u32 s12, $0x1;
	s11 =	sadd.s32 s10, s6;
	s13 =	sadd.s32 s9, s6  }
0xf: {  	s12 =	ssub.s32 s12, s31;
	s6 =	sadd.s32 s7, s10;
	s7 =	sadd.s32 s8, s10  }
0x10: {  	s8 =	sadd.s32 $0x115A00, s11;
	s9 =	sadd.s32 $0x12200, s13;
	s10 =	sadd.s32 $0x22200, s13  }
0x11: {  	s11 =	sadd.s32 $0x2200, s13;
	s12 =	smax.u32 s12, $0x1;
	s13 =	simm.s32 $0x4  }
.LBB2_1:
0x12: {  	[tilespmem:s3], [sflag:$0x4] =	stream.linear.gather [hbm4b:s6+s3], $0x80, $0x38;
	[tilespmem:$0x18180] =	vst v63  }
0x13: {  	_ =	swait.ge [sflag:s13], $0x80  }
0x14: {  	[sflag:s13] =	ssyncset.done $0x0  }
0x15: {  	[sflag:s13] =	ssyncadd.s32 $0xFFFFFF80  }
0x16: {  	[tilespmem:s14], [sflag:$0x4] =	stream.linear.gather [hbm4b:s7+s3], $0x80, $0x38;
	[tilespmem:$0x18180] =	vst v63  }
0x17: {  	_ =	swait.ge [sflag:s13], $0x80  }
0x18: {  	[sflag:s13] =	ssyncset.done $0x0  }
0x19: {  	[sflag:s13] =	ssyncadd.s32 $0xFFFFFF80  }
0x1a: {  	[tilespmem:s15], [sflag:$0x4] =	stream.linear.gather [hbm4b:s8+s3], $0x80, $0x38;
	[tilespmem:$0x18180] =	vst v63  }
0x1b: {  	_ =	swait.ge [sflag:s13], $0x80  }
0x1c: {  	[sflag:s13] =	ssyncset.done $0x0  }
0x1d: {  	[sflag:s13] =	ssyncadd.s32 $0xFFFFFF80  }
0x1e: {  	[tilespmem:s16], [sflag:$0x4] =	stream.linear.gather [hbm4b:s9+s3], $0x4000, $0x38;
	[tilespmem:$0x18180] =	vst v63  }
0x1f: {  	_ =	swait.ge [sflag:s13], $0x4000  }
0x20: {  	[sflag:s13] =	ssyncset.done $0x0  }
0x21: {  	[sflag:s13] =	ssyncadd.s32 $0xFFFFC000  }
0x22: {  	[tilespmem:s17], [sflag:$0x4] =	stream.linear.gather [hbm4b:s10+s3], $0x4000, $0x38;
	[tilespmem:$0x18180] =	vst v63  }
0x23: {  	_ =	swait.ge [sflag:s13], $0x4000  }
0x24: {  	[sflag:s13] =	ssyncset.done $0x0  }
0x25: {  	[sflag:s13] =	ssyncadd.s32 $0xFFFFC000  }
0x26: {  	[tilespmem:s18], [sflag:$0x4] =	stream.linear.gather [hbm4b:s11+s3], $0x4000, $0x38;
	[tilespmem:$0x18180] =	vst v63  }
0x27: {  	_ =	swait.ge [sflag:s13], $0x4000  }
0x28: {  	[sflag:s13] =	ssyncset.done $0x0  }
0x29: {  	[sflag:s13] =	ssyncadd.s32 $0xFFFFC000  }
0x2a: {  	[tilespmem:s19], [sflag:$0x1] =	stream.indirect.gather [hbm4b:s2+s14], $0x80, s3, s14, $0xb8;
	[tilespmem:$0x18180] =	vst v63  }
0x2b: {  	_ = 	snop  }
0x2c: {  	[tilespmem:s20], [sflag:$0x2] =	stream.indirect.gather [hbm4b:s5+s14], $0x80, s14, s14, $0xb8;
	[tilespmem:$0x18180] =	vst v63  }
0x2d: {  	_ = 	snop  }
0x2e: {  	[tilespmem:s21], [sflag:$0x3] =	stream.indirect.gather [hbm4b:s5+s14], $0x80, s15, s14, $0xb8;
	[tilespmem:$0x18180] =	vst v63  }
0x2f: {  	_ =	swait.ge [sflag:s22], $0x4000  }
0x30: {  	[sflag:s22] =	ssyncset.done $0x0  }
0x31: {  	[sflag:s22] =	ssyncadd.s32 $0xFFFFC000  }
0x32: {  	_ =	swait.ge [sflag:s23], $0x4000  }
0x33: {  	[sflag:s23] =	ssyncset.done $0x0  }
0x34: {  	[sflag:s23] =	ssyncadd.s32 $0xFFFFC000  }
0x35: {  	_ =	swait.ge [sflag:s24], $0x4000  }
0x36: {  	[sflag:s24] =	ssyncset.done $0x0  }
0x37: {  	s26 =	simm.s32 $0x0;
	[sflag:s24] =	ssyncadd.s32 $0xFFFFC000  }
0x38: {  	v8 =	vld [tilespmem:s26+$0x8180]  }
0x39: {  	v9 =	vld [tilespmem:s26+$0x14180]  }
0x3a: {  	v10 =	vld [tilespmem:s26+$0x8190]  }
0x3b: {  	v11 =	vld [tilespmem:s26+$0x14190]  }
0x3c: {  	v18 =	vld [tilespmem:s26+$0x81A0]  }
0x3d: {  	v19 =	vld [tilespmem:s26+$0x141A0]  }
0x3e: {  	v20 =	vld [tilespmem:s26+$0x81B0]  }
0x3f: {  	v21 =	vld [tilespmem:s26+$0x141B0]  }
0x40: {  	v22 =	vld [tilespmem:s26+$0x81C0]  }
0x41: {  	v23 =	vld [tilespmem:s26+$0x141C0]  }
0x42: {  	v24 =	vld [tilespmem:s26+$0x81D0]  }
0x43: {  	v26 =	vld [tilespmem:s26+$0x141D0]  }
0x44: {  	v0 =	vld [tilespmem:s26+$0x81E0]  }
0x45: {  	v1 =	vld [tilespmem:s26+$0x141E0]  }
0x46: {  	v29 =	vld [tilespmem:s26+$0xC180]  }
0x47: {  	v27 =	vld [tilespmem:s26+$0x4180]  }
0x48: {  	v28 =	vld [tilespmem:s26+$0x10180]  }
0x49: {  	v31 =	vld [tilespmem:s26+$0xC190]  }
0x4a: {  	v30 =	vld [tilespmem:s26+$0x4190]  }
0x4b: {  	v32 =	vld [tilespmem:s26+$0x10190]  }
0x4c: {  	v6 =	vld [tilespmem:s26+$0xC1A0]  }
0x4d: {  	v33 =	vld [tilespmem:s26+$0x41A0]  }
0x4e: {  	v34 =	vld [tilespmem:s26+$0x101A0]  }
0x4f: {  	v7 =	vld [tilespmem:s26+$0xC1B0]  }
0x50: {  	v35 =	vld [tilespmem:s26+$0x41B0]  }
0x51: {  	v36 =	vld [tilespmem:s26+$0x101B0]  }
0x52: {  	v5 =	vld [tilespmem:s26+$0xC1C0]  }
0x53: {  	v37 =	vld [tilespmem:s26+$0x41C0]  }
0x54: {  	v38 =	vld [tilespmem:s26+$0x101C0]  }
0x55: {  	v4 =	vld [tilespmem:s26+$0xC1D0]  }
0x56: {  	v39 =	vld [tilespmem:s26+$0x41D0]  }
0x57: {  	v40 =	vld [tilespmem:s26+$0x101D0]  }
0x58: {  	v3 =	vld [tilespmem:s26+$0xC1E0]  }
0x59: {  	v13 =	vld [tilespmem:s26+$0x41E0]  }
0x5a: {  	v16 =	vld [tilespmem:s26+$0x101E0]  }
0x5b: {  	v2 =	vld [tilespmem:s26+$0xC1F0]  }
0x5c: {  	v14 =	vld [tilespmem:s26+$0x41F0]  }
0x5d: {  	v17 =	vld [tilespmem:s26+$0x101F0]  }
0x5e: {  	v41 =	vld [tilespmem:s26+$0x180];
	v15 =	vmul.f32 v9, v8;
	v12 =	vmul.f32 v11, v10  }
0x5f: {  	v42 =	vld [tilespmem:s26+$0x190];
	v11 =	vmul.f32 v19, v18;
	v10 =	vmul.f32 v21, v20  }
0x60: {  	v25 =	vld [tilespmem:s26+$0x1A0];
	v9 =	vmul.f32 v23, v22;
	v8 =	vmul.f32 v26, v24  }
0x61: {  	v28 =	vmul.f32 v28, v27;
	v26 =	vmul.f32 v32, v30;
	v27 =	vld [tilespmem:s26+$0x1B0]  }
0x62: {  	v23 =	vmul.f32 v34, v33;
	v20 =	vmul.f32 v36, v35;
	v24 =	vld [tilespmem:s26+$0x1C0]  }
0x63: {  	v30 =	vmul.f32 v29, v41;
	v19 =	vmul.f32 v38, v37;
	v22 =	vld [tilespmem:s26+$0x1D0]  }
0x64: {  	s28 =	simm.s32 $0x200;
	v29 =	vmul.f32 v31, v42;
	v18 =	vmul.f32 v40, v39;
	v21 =	vld [tilespmem:s26+$0x1E0]  }
.LBB2_2:
0x65: {  	p0 =	sne.s32 s28, $0xFE00;
	v28 =	vadd.f32 v28, v30;
	v6 =	vmul.f32 v6, v25;
	v13 =	vmul.f32 v16, v13;
	v16 =	vld [tilespmem:s26+$0x1F0]  }
0x66: {  	v14 =	vmul.f32 v17, v14;
	v25 =	vadd.f32 v26, v29;
	v7 =	vmul.f32 v7, v27;
	v17 =	vld [tilespmem:s26+$0x81F0]  }
0x67: {  	s29 =	sshra.s32 s28, $0x2;
	v15 =	vadd.f32 v15, v28;
	v6 =	vadd.f32 v23, v6;
	v5 =	vmul.f32 v5, v24;
	v23 =	vld [tilespmem:s26+$0x141F0]  }
0x68: {  	v24 =	vld [tilespmem:s29+$0x8180];
	v12 =	vadd.f32 v12, v25;
	v7 =	vadd.f32 v20, v7;
	v4 =	vmul.f32 v4, v22  }
0x69: {  	v20 =	vld [tilespmem:s29+$0x14180];
	[tilespmem:s26+$0x180] =	vst v15;
	v6 =	vadd.f32 v11, v6;
	v5 =	vadd.f32 v19, v5;
	v3 =	vmul.f32 v3, v21  }
0x6a: {  	v11 =	vld [tilespmem:s29+$0x8190];
	[tilespmem:s26+$0x190] =	vst v12;
	v7 =	vadd.f32 v10, v7;
	v4 =	vadd.f32 v18, v4;
	v2 =	vmul.f32 v2, v16  }
0x6b: {  	v0 =	vmul.f32 v1, v0;
	v10 =	vld [tilespmem:s29+$0x14190];
	[tilespmem:s26+$0x1A0] =	vst v6;
	v5 =	vadd.f32 v9, v5;
	v3 =	vadd.f32 v13, v3  }
0x6c: {  	v9 =	vld [tilespmem:s29+$0x81A0];
	[tilespmem:s26+$0x1B0] =	vst v7;
	v1 =	vadd.f32 v8, v4;
	v2 =	vadd.f32 v14, v2;
	v4 =	vmul.f32 v23, v17  }
0x6d: {  	v8 =	vld [tilespmem:s29+$0x141A0];
	[tilespmem:s26+$0x1C0] =	vst v5;
	v0 =	vadd.f32 v0, v3  }
0x6e: {  	v18 =	vld [tilespmem:s29+$0x81B0];
	[tilespmem:s26+$0x1D0] =	vst v1;
	v1 =	vadd.f32 v4, v2  }
0x6f: {  	v19 =	vld [tilespmem:s29+$0x141B0];
	[tilespmem:s26+$0x1E0] =	vst v0  }
0x70: {  	v21 =	vld [tilespmem:s29+$0x81C0];
	[tilespmem:s26+$0x1F0] =	vst v1;
	s26 =	smov.u32 s29  }
0x71: {  	v22 =	vld [tilespmem:s26+$0x141C0]  }
0x72: {  	v23 =	vld [tilespmem:s26+$0x81D0]  }
0x73: {  	v26 =	vld [tilespmem:s26+$0x141D0]  }
0x74: {  	v0 =	vld [tilespmem:s26+$0x81E0]  }
0x75: {  	v1 =	vld [tilespmem:s26+$0x141E0]  }
0x76: {  	v29 =	vld [tilespmem:s26+$0xC180]  }
0x77: {  	v27 =	vld [tilespmem:s26+$0x4180]  }
0x78: {  	v28 =	vld [tilespmem:s26+$0x10180]  }
0x79: {  	v31 =	vld [tilespmem:s26+$0xC190]  }
0x7a: {  	v30 =	vld [tilespmem:s26+$0x4190]  }
0x7b: {  	v32 =	vld [tilespmem:s26+$0x10190]  }
0x7c: {  	v6 =	vld [tilespmem:s26+$0xC1A0]  }
0x7d: {  	v33 =	vld [tilespmem:s26+$0x41A0]  }
0x7e: {  	v34 =	vld [tilespmem:s26+$0x101A0]  }
0x7f: {  	v7 =	vld [tilespmem:s26+$0xC1B0]  }
0x80: {  	v35 =	vld [tilespmem:s26+$0x41B0]  }
0x81: {  	v36 =	vld [tilespmem:s26+$0x101B0]  }
0x82: {  	v5 =	vld [tilespmem:s26+$0xC1C0]  }
0x83: {  	v37 =	vld [tilespmem:s26+$0x41C0]  }
0x84: {  	v38 =	vld [tilespmem:s26+$0x101C0]  }
0x85: {  	v4 =	vld [tilespmem:s26+$0xC1D0]  }
0x86: {  	v39 =	vld [tilespmem:s26+$0x41D0]  }
0x87: {  	v40 =	vld [tilespmem:s26+$0x101D0]  }
0x88: {  	v3 =	vld [tilespmem:s26+$0xC1E0]  }
0x89: {  	v13 =	vld [tilespmem:s26+$0x41E0]  }
0x8a: {  	v16 =	vld [tilespmem:s26+$0x101E0]  }
0x8b: {  	v2 =	vld [tilespmem:s26+$0xC1F0]  }
0x8c: {  	v14 =	vld [tilespmem:s26+$0x41F0]  }
0x8d: {  	v17 =	vld [tilespmem:s26+$0x101F0]  }
0x8e: {  	v15 =	vmul.f32 v20, v24;
	v12 =	vmul.f32 v10, v11;
	v41 =	vld [tilespmem:s26+$0x180]  }
0x8f: {  	v11 =	vmul.f32 v8, v9;
	v10 =	vmul.f32 v19, v18;
	v42 =	vld [tilespmem:s26+$0x190]  }
.Ltmp0:
0x90: {  	v9 =	vmul.f32 v22, v21;
	v8 =	vmul.f32 v26, v23;
	v25 =	vld [tilespmem:s26+$0x1A0];
	(pc) =	sbr.rel @p0 .LBB2_2-.Ltmp0, $4  }
0x91: {  	v28 =	vmul.f32 v28, v27;
	v26 =	vmul.f32 v32, v30;
	v27 =	vld [tilespmem:s26+$0x1B0]  }
0x92: {  	v23 =	vmul.f32 v34, v33;
	v20 =	vmul.f32 v36, v35;
	v24 =	vld [tilespmem:s26+$0x1C0]  }
0x93: {  	v19 =	vmul.f32 v38, v37;
	v30 =	vmul.f32 v29, v41;
	v22 =	vld [tilespmem:s26+$0x1D0]  }
0x94: {  	s28 =	sadd.s32 $0x200, s28;
	v18 =	vmul.f32 v40, v39;
	v29 =	vmul.f32 v31, v42;
	v21 =	vld [tilespmem:s26+$0x1E0]  }
0x95: {  	v28 =	vadd.f32 v28, v30;
	v6 =	vmul.f32 v6, v25;
	v13 =	vmul.f32 v16, v13;
	v57 =	vld [tilespmem:s26+$0x1F0]  }
0x96: {  	v14 =	vmul.f32 v17, v14;
	v59 =	vld [tilespmem:s26+$0x81F0];
	v58 =	vadd.f32 v26, v29;
	v7 =	vmul.f32 v7, v27  }
0x97: {  	v60 =	vld [tilespmem:s26+$0x141F0];
	v15 =	vadd.f32 v15, v28;
	v6 =	vadd.f32 v23, v6;
	v5 =	vmul.f32 v5, v24  }
0x98: {  	v12 =	vadd.f32 v12, v58;
	v7 =	vadd.f32 v20, v7;
	v4 =	vmul.f32 v4, v22  }
0x99: {  	[tilespmem:s26+$0x180] =	vst v15;
	v6 =	vadd.f32 v11, v6;
	v5 =	vadd.f32 v19, v5;
	v3 =	vmul.f32 v3, v21  }
0x9a: {  	[tilespmem:s26+$0x190] =	vst v12;
	v7 =	vadd.f32 v10, v7;
	v4 =	vadd.f32 v18, v4;
	v2 =	vmul.f32 v2, v57  }
0x9b: {  	v0 =	vmul.f32 v1, v0;
	[tilespmem:s26+$0x1A0] =	vst v6;
	v5 =	vadd.f32 v9, v5;
	v3 =	vadd.f32 v13, v3  }
0x9c: {  	v62 =	vmul.f32 v60, v59;
	[tilespmem:s26+$0x1B0] =	vst v7;
	v61 =	vadd.f32 v8, v4;
	v2 =	vadd.f32 v14, v2  }
0x9d: {  	[tilespmem:s26+$0x1C0] =	vst v5;
	v0 =	vadd.f32 v0, v3  }
0x9e: {  	s25 =	sadd.s32 $0x1, s25;
	[tilespmem:s26+$0x1D0] =	vst v61;
	v63 =	vadd.f32 v62, v2  }
0x9f: {  	p0 =	sne.s32 s25, s12;
	[tilespmem:s26+$0x1E0] =	vst v0  }
.Ltmp1:
0xa0: {  	[tilespmem:s26+$0x1F0] =	vst v63;
	(pc) =	sbr.rel @p0 .LBB2_1-.Ltmp1, $4  }
0xa1: {  	[hbm4b:s4+s14] =	stream.indirect.scatter [tilespmem:s19], [sflag:$0x1], $0x80, s3, s14, $0xb8;
	[tilespmem:$0x18180] =	vst v63  }
0xa2: {  	_ =	swait.ge [sflag:s22], $0x4000  }
0xa3: {  	[sflag:s22] =	ssyncset.done $0x0  }
0xa4: {  	[sflag:s22] =	ssyncadd.s32 $0xFFFFC000  }
0xa5: {  	_ =	sfence.sel $0x180000  }
0xa6: {  	[bflag:$0x0] =	sbarrier.arrive $0xFFFF  }
0xa7: {  	p0 =	sne.s32 s1, $0x0;
	_ =	strace $0x9000004A  }
0xa8: {  	s0 =	sadd.s32 @!p0 $0x100000, s0;
	[bflag:$0x2] =	sbarrier.arrive $0xFFFF  }
0xa9: {  	[sflag:s0] =	ssyncadd.tile.s32 @!p0 $0x1;
	_ =	shalt  }
.Lfunc_end2:
_tile_overlayer_lowered:
.L_overlay_start_2:
0xaa: {  	(tag) =	ssettag $0x2  }
0xab: {  	s0 =	rddreg [dreg:$0x0];
	s2 =	stileid.u32  }
0xac: {  	s1 =	rddreg [dreg:$0x1];
	p0 =	sne.s32 s2, $0x0  }
0xad: {  	s3 =	rddreg [dreg:$0x2];
	[bflag:$0x3] =	sbarrier.arrive $0xFFFF;
	s2 =	simm.s32 @!p0 $0x1C04  }
0xae: {  	[timem:s3], [sflag:s2] =	dma.local @!p0 [hbm:s0], s1  }
0xaf: {  	s0 =	simm.s32 @!p0 $0x4  }
0xb0: {  	_ =	swait.ge @!p0 [sflag:s0], s1  }
0xb1: {  	s1 =	ssub.s32 @!p0 $0x0, s1;
	[sflag:s0] =	ssyncset.done @!p0 $0x0  }
0xb2: {  	[sflag:s0] =	ssyncadd.s32 @!p0 s1  }
0xb3: {  	[bflag:$0x3] =	sbarrier.arrive $0xFFFF  }
0xb4: {  	_ =	shalt  }

</sc_bundles>
